<compile_context>
chip_gen: v7x
topology: tpu7x:2x2x1
jax: 0.10.2.dev20260603
libtpu: 0.0.44.dev20260713+nightly
codegen_flags: <defaults>
</compile_context>

<pallas_src>
import jax
import jax.numpy as jnp
from jax import lax
from jax.experimental import pallas as pl
from jax.experimental.pallas import tpu as pltpu
from jax.experimental.pallas import tpu_sc as plsc

_NB = 999999
_K = 0x45D9F3B
_R = 16384
_C = 200
_NW = 32
_RW = _R // _NW
_NCH = 8
_CR = _RW // _NCH
_NV = _C // 16
_TAIL = _C - 16


def _lshr(v, k):
    return lax.shift_right_logical(v, jnp.int32(k))


def _hash_mod(v):
    v = v ^ _lshr(v, 16)
    v = v * jnp.int32(_K)
    v = v ^ _lshr(v, 16)
    v = v * jnp.int32(_K)
    s = _lshr(v, 16)
    w = v ^ s
    q0 = _lshr(s * jnp.int32(8589), 17)
    r = w - q0 * jnp.int32(_NB)
    r = jnp.where(r >= jnp.int32(_NB), r - jnp.int32(_NB), r)
    return r


def _bucketize(v):
    h = _hash_mod(v)
    return jnp.where(v != 0, h + jnp.int32(1), jnp.int32(0))


def _body(x_hbm, o_hbm, ibuf, obuf, isem, osem):
    wid = lax.axis_index("s") * 2 + lax.axis_index("c")
    base = wid * _RW

    def in_copy(c, p):
        return pltpu.make_async_copy(
            x_hbm.at[pl.ds(base + c * _CR, _CR)], ibuf.at[p], isem.at[p]
        )

    def out_copy(c, p):
        return pltpu.make_async_copy(
            obuf.at[p], o_hbm.at[pl.ds(base + c * _CR, _CR)], osem.at[p]
        )

    in_copy(0, 0).start()

    def one_chunk(c, carry):
        p = lax.rem(c, 2)
        in_copy(c, p).wait()

        @pl.when(c + 1 < _NCH)
        def _():
            in_copy(c + 1, 1 - p).start()

        @pl.when(c >= 2)
        def _():
            out_copy(c - 2, p).wait()

        @plsc.parallel_loop(0, _CR, 1)
        def _(r):
            for j in range(_NV):
                v = ibuf[p, r, pl.ds(j * 16, 16)]
                obuf[p, r, pl.ds(j * 16, 16)] = _bucketize(v)
            v = ibuf[p, r, pl.ds(_TAIL, 16)]
            obuf[p, r, pl.ds(_TAIL, 16)] = _bucketize(v)

        out_copy(c, p).start()
        return carry

    lax.fori_loop(0, _NCH, one_chunk, 0)
    out_copy(_NCH - 2, 0).wait()
    out_copy(_NCH - 1, 1).wait()


def kernel(x):
    run = pl.kernel(
        _body,
        out_type=jax.ShapeDtypeStruct((_R, _C), jnp.int32),
        mesh=plsc.VectorSubcoreMesh(core_axis_name="c", subcore_axis_name="s"),
        scratch_types=[
            pltpu.VMEM((2, _CR, _C), jnp.int32),
            pltpu.VMEM((2, _CR, _C), jnp.int32),
            pltpu.SemaphoreType.DMA((2,)),
            pltpu.SemaphoreType.DMA((2,)),
        ],
        compiler_params=pltpu.CompilerParams(use_tc_tiling_on_sc=True),
    )
    return run(x)

# --- scband reference (transcript-rebuilt; emitter-appended) ---
"""Pipeline reference for scband-hash-3418793967699 (READ-ONLY COPY).

The authoritative reference and input builder live on the scoring server;
editing this copy changes nothing except your own understanding.
"""

import jax, jax.numpy as jnp
import numpy as np

NUM_BUCKETS = 1000000
MASK_ZERO = True


def _hash_u32(x):
    # Deterministic integer mixing hash emulating tf.strings.to_hash_bucket_fast
    # (FarmHash on the decimal-string representation). Exact FarmHash on strings is
    # not expressible in pure jnp, so a well-mixed 32-bit avalanche hash is used;
    # the access pattern, value range and masking semantics are identical.
    x = x.astype(jnp.uint32)
    x = x ^ (x >> 16)
    x = x * jnp.uint32(0x45D9F3B)
    x = x ^ (x >> 16)
    x = x * jnp.uint32(0x45D9F3B)
    x = x ^ (x >> 16)
    return x


def setup_inputs(seed: int = 0) -> dict:
    key = jax.random.key(seed)
    x = jax.random.randint(key, (16384, 200), 0, 2000000000, dtype=jnp.int32)
    return {"x": x}


def reference(x):
    nb = NUM_BUCKETS - 1 if MASK_ZERO else NUM_BUCKETS
    h = _hash_u32(x) % jnp.uint32(nb)
    h = h.astype(jnp.int64) if jax.config.jax_enable_x64 else h.astype(jnp.int32)
    if MASK_ZERO:
        mask = (x != 0).astype(h.dtype)
        h = (h + 1) * mask
    return h

if __name__ == "__main__":
    import jax
    _d = setup_inputs()
    print(jax.jit(kernel)(*tuple(_d.values())))

</pallas_src>

<mosaic_0001>
#map = affine_map<(d0, d1) -> (0, 0)>
module attributes {stable_mosaic.version = 14 : i64} {
  func.func @_body(%arg0: i32, %arg1: i32, %arg2: memref<16384x200xi32, #tpu.memory_space<hbm>>, %arg3: memref<16384x200xi32, #tpu.memory_space<hbm>>, %arg4: memref<2x64x200xi32, #tpu.memory_space<vmem>>, %arg5: memref<2x64x200xi32, #tpu.memory_space<vmem>>, %arg6: memref<2x!tpu.dma_semaphore, #tpu.memory_space<semaphore_mem>>, %arg7: memref<2x!tpu.dma_semaphore, #tpu.memory_space<semaphore_mem>>) attributes {dimension_semantics = [#tpu.dimension_semantics<core_parallel>, #tpu.dimension_semantics<subcore_parallel>], iteration_bounds = array<i64: 2, 16>, scalar_prefetch = 0 : i64, scratch_operands = 4 : i64, tpu.core_type = #tpu.core_type<sc_vector_subcore>, window_params = [{transform_indices = #map}, {transform_indices = #map}]} {
    %mul3A = arith.constant 2 : i32
    %mul3A_0 = arith.muli %arg1, %mul3A : i32
    %add3A = arith.addi %mul3A_0, %arg0 : i32
    %mul3A_1 = arith.constant 512 : i32
    %mul3A_2 = arith.muli %add3A, %mul3A_1 : i32
    %add3A_3 = arith.constant 0 : i32
    %add3A_4 = arith.addi %mul3A_2, %add3A_3 : i32
    %dma_start3A = arith.constant 0 : i32
    %dma_start3A_5 = arith.constant 0 : i32
    %dma_start3A_6 = arith.constant 0 : i32
    %dma_start3A_7 = arith.constant 0 : i32
    %dma_start3A_8 = tpu.memref_slice %arg4[%dma_start3A, %dma_start3A_6, %dma_start3A_7] : memref<2x64x200xi32, #tpu.memory_space<vmem>> -> memref<1x64x200xi32, #tpu.memory_space<vmem>>
    %dma_start3A_9 = tpu.memref_squeeze %dma_start3A_8 : memref<1x64x200xi32, #tpu.memory_space<vmem>> -> memref<64x200xi32, #tpu.memory_space<vmem>>
    %dma_start3A_10 = arith.constant 0 : i32
    %dma_start3A_11 = tpu.memref_slice %arg2[%add3A_4, %dma_start3A_10] : memref<16384x200xi32, #tpu.memory_space<hbm>> -> memref<64x200xi32, #tpu.memory_space<hbm>>
    %dma_start3A_12 = tpu.memref_slice %arg6[%dma_start3A_5] : memref<2x!tpu.dma_semaphore, #tpu.memory_space<semaphore_mem>> -> memref<1x!tpu.dma_semaphore, #tpu.memory_space<semaphore_mem>>
    %dma_start3A_13 = tpu.memref_squeeze %dma_start3A_12 : memref<1x!tpu.dma_semaphore, #tpu.memory_space<semaphore_mem>> -> memref<!tpu.dma_semaphore, #tpu.memory_space<semaphore_mem>>
    %dma_start3A_14 = arith.constant 0 : i32
    %dma_start3A_15 = arith.constant 0 : i32
    %dma_start3A_16 = tpu.memref_slice %arg4[%dma_start3A, %dma_start3A_14, %dma_start3A_15] : memref<2x64x200xi32, #tpu.memory_space<vmem>> -> memref<1x64x200xi32, #tpu.memory_space<vmem>>
    %dma_start3A_17 = tpu.memref_squeeze %dma_start3A_16 : memref<1x64x200xi32, #tpu.memory_space<vmem>> -> memref<64x200xi32, #tpu.memory_space<vmem>>
    %dma_start3A_18 = arith.constant 0 : i32
    %dma_start3A_19 = tpu.memref_slice %arg2[%add3A_4, %dma_start3A_18] : memref<16384x200xi32, #tpu.memory_space<hbm>> -> memref<64x200xi32, #tpu.memory_space<hbm>>
    tpu.enqueue_dma source(%dma_start3A_19 : memref<64x200xi32, #tpu.memory_space<hbm>>) target(%dma_start3A_17 : memref<64x200xi32, #tpu.memory_space<vmem>>) target_semaphore(%dma_start3A_13 : memref<!tpu.dma_semaphore, #tpu.memory_space<semaphore_mem>>)
    %scan3A = arith.constant 0 : i32
    %scan3A_20 = arith.constant 0 : i32
    %scan3A_21 = arith.constant 8 : i32
    %scan3A_22 = arith.addi %scan3A_20, %scan3A_21 : i32
    %scan3A_23 = arith.constant 1 : i32
    scf.for %scan3A_60 = %scan3A_20 to %scan3A_22 step %scan3A_23  : i32 {
      %rem3A = arith.constant 2 : i32
      %rem3A_61 = arith.remsi %scan3A_60, %rem3A : i32
      %mul3A_62 = arith.constant 64 : i32
      %mul3A_63 = arith.muli %scan3A_60, %mul3A_62 : i32
      %add3A_64 = arith.addi %mul3A_2, %mul3A_63 : i32
      %dma_wait3A_65 = arith.constant 0 : i32
      %dma_wait3A_66 = arith.constant 0 : i32
      %dma_wait3A_67 = tpu.memref_slice %arg4[%rem3A_61, %dma_wait3A_65, %dma_wait3A_66] : memref<2x64x200xi32, #tpu.memory_space<vmem>> -> memref<1x64x200xi32, #tpu.memory_space<vmem>>
      %dma_wait3A_68 = tpu.memref_squeeze %dma_wait3A_67 : memref<1x64x200xi32, #tpu.memory_space<vmem>> -> memref<64x200xi32, #tpu.memory_space<vmem>>
      %dma_wait3A_69 = arith.constant 0 : i32
      %dma_wait3A_70 = tpu.memref_slice %arg2[%add3A_64, %dma_wait3A_69] : memref<16384x200xi32, #tpu.memory_space<hbm>> -> memref<64x200xi32, #tpu.memory_space<hbm>>
      %dma_wait3A_71 = tpu.memref_slice %arg6[%rem3A_61] : memref<2x!tpu.dma_semaphore, #tpu.memory_space<semaphore_mem>> -> memref<1x!tpu.dma_semaphore, #tpu.memory_space<semaphore_mem>>
      %dma_wait3A_72 = tpu.memref_squeeze %dma_wait3A_71 : memref<1x!tpu.dma_semaphore, #tpu.memory_space<semaphore_mem>> -> memref<!tpu.dma_semaphore, #tpu.memory_space<semaphore_mem>>
      %dma_wait3A_73 = arith.constant 0 : i32
      %dma_wait3A_74 = arith.constant 0 : i32
      %dma_wait3A_75 = tpu.memref_slice %arg4[%rem3A_61, %dma_wait3A_73, %dma_wait3A_74] : memref<2x64x200xi32, #tpu.memory_space<vmem>> -> memref<1x64x200xi32, #tpu.memory_space<vmem>>
      %dma_wait3A_76 = tpu.memref_squeeze %dma_wait3A_75 : memref<1x64x200xi32, #tpu.memory_space<vmem>> -> memref<64x200xi32, #tpu.memory_space<vmem>>
      %dma_wait3A_77 = arith.constant 0 : i32
      %dma_wait3A_78 = tpu.memref_slice %arg2[%add3A_64, %dma_wait3A_77] : memref<16384x200xi32, #tpu.memory_space<hbm>> -> memref<64x200xi32, #tpu.memory_space<hbm>>
      tpu.wait_dma2 semaphore(%dma_wait3A_72 : memref<!tpu.dma_semaphore, #tpu.memory_space<semaphore_mem>>) src(%dma_wait3A_78 : memref<64x200xi32, #tpu.memory_space<hbm>>) dst(%dma_wait3A_76 : memref<64x200xi32, #tpu.memory_space<vmem>>)
      %add3A_79 = arith.constant 1 : i32
      %add3A_80 = arith.addi %scan3A_60, %add3A_79 : i32
      %lt3A = arith.constant 8 : i32
      %lt3A_81 = arith.cmpi slt, %add3A_80, %lt3A : i32
      %convert_element_type3A = arith.extui %lt3A_81 : i1 to i32
      %cond3A = arith.constant 0 : i32
      %cond3A_82 = arith.cmpi ne, %convert_element_type3A, %cond3A : i32
      scf.if %cond3A_82 {
        %add3A_106 = arith.constant 1 : i32
        %add3A_107 = arith.addi %scan3A_60, %add3A_106 : i32
        %sub3A = arith.constant 1 : i32
        %sub3A_108 = arith.subi %sub3A, %rem3A_61 : i32
        %mul3A_109 = arith.constant 64 : i32
        %mul3A_110 = arith.muli %add3A_107, %mul3A_109 : i32
        %add3A_111 = arith.addi %mul3A_2, %mul3A_110 : i32
        %dma_start3A_112 = arith.constant 0 : i32
        %dma_start3A_113 = arith.constant 0 : i32
        %dma_start3A_114 = tpu.memref_slice %arg4[%sub3A_108, %dma_start3A_112, %dma_start3A_113] : memref<2x64x200xi32, #tpu.memory_space<vmem>> -> memref<1x64x200xi32, #tpu.memory_space<vmem>>
        %dma_start3A_115 = tpu.memref_squeeze %dma_start3A_114 : memref<1x64x200xi32, #tpu.memory_space<vmem>> -> memref<64x200xi32, #tpu.memory_space<vmem>>
        %dma_start3A_116 = arith.constant 0 : i32
        %dma_start3A_117 = tpu.memref_slice %arg2[%add3A_111, %dma_start3A_116] : memref<16384x200xi32, #tpu.memory_space<hbm>> -> memref<64x200xi32, #tpu.memory_space<hbm>>
        %dma_start3A_118 = tpu.memref_slice %arg6[%sub3A_108] : memref<2x!tpu.dma_semaphore, #tpu.memory_space<semaphore_mem>> -> memref<1x!tpu.dma_semaphore, #tpu.memory_space<semaphore_mem>>
        %dma_start3A_119 = tpu.memref_squeeze %dma_start3A_118 : memref<1x!tpu.dma_semaphore, #tpu.memory_space<semaphore_mem>> -> memref<!tpu.dma_semaphore, #tpu.memory_space<semaphore_mem>>
        %dma_start3A_120 = arith.constant 0 : i32
        %dma_start3A_121 = arith.constant 0 : i32
        %dma_start3A_122 = tpu.memref_slice %arg4[%sub3A_108, %dma_start3A_120, %dma_start3A_121] : memref<2x64x200xi32, #tpu.memory_space<vmem>> -> memref<1x64x200xi32, #tpu.memory_space<vmem>>
        %dma_start3A_123 = tpu.memref_squeeze %dma_start3A_122 : memref<1x64x200xi32, #tpu.memory_space<vmem>> -> memref<64x200xi32, #tpu.memory_space<vmem>>
        %dma_start3A_124 = arith.constant 0 : i32
        %dma_start3A_125 = tpu.memref_slice %arg2[%add3A_111, %dma_start3A_124] : memref<16384x200xi32, #tpu.memory_space<hbm>> -> memref<64x200xi32, #tpu.memory_space<hbm>>
        tpu.enqueue_dma source(%dma_start3A_125 : memref<64x200xi32, #tpu.memory_space<hbm>>) target(%dma_start3A_123 : memref<64x200xi32, #tpu.memory_space<vmem>>) target_semaphore(%dma_start3A_119 : memref<!tpu.dma_semaphore, #tpu.memory_space<semaphore_mem>>)
      } else {
      }
      %ge3A = arith.constant 2 : i32
      %ge3A_83 = arith.cmpi sge, %scan3A_60, %ge3A : i32
      %convert_element_type3A_84 = arith.extui %ge3A_83 : i1 to i32
      %cond3A_85 = arith.constant 0 : i32
      %cond3A_86 = arith.cmpi ne, %convert_element_type3A_84, %cond3A_85 : i32
      scf.if %cond3A_86 {
        %sub3A = arith.constant 2 : i32
        %sub3A_106 = arith.subi %scan3A_60, %sub3A : i32
        %mul3A_107 = arith.constant 64 : i32
        %mul3A_108 = arith.muli %sub3A_106, %mul3A_107 : i32
        %add3A_109 = arith.addi %mul3A_2, %mul3A_108 : i32
        %dma_wait3A_110 = arith.constant 0 : i32
        %dma_wait3A_111 = arith.constant 0 : i32
        %dma_wait3A_112 = tpu.memref_slice %arg5[%rem3A_61, %dma_wait3A_110, %dma_wait3A_111] : memref<2x64x200xi32, #tpu.memory_space<vmem>> -> memref<1x64x200xi32, #tpu.memory_space<vmem>>
        %dma_wait3A_113 = tpu.memref_squeeze %dma_wait3A_112 : memref<1x64x200xi32, #tpu.memory_space<vmem>> -> memref<64x200xi32, #tpu.memory_space<vmem>>
        %dma_wait3A_114 = arith.constant 0 : i32
        %dma_wait3A_115 = tpu.memref_slice %arg3[%add3A_109, %dma_wait3A_114] : memref<16384x200xi32, #tpu.memory_space<hbm>> -> memref<64x200xi32, #tpu.memory_space<hbm>>
        %dma_wait3A_116 = tpu.memref_slice %arg7[%rem3A_61] : memref<2x!tpu.dma_semaphore, #tpu.memory_space<semaphore_mem>> -> memref<1x!tpu.dma_semaphore, #tpu.memory_space<semaphore_mem>>
        %dma_wait3A_117 = tpu.memref_squeeze %dma_wait3A_116 : memref<1x!tpu.dma_semaphore, #tpu.memory_space<semaphore_mem>> -> memref<!tpu.dma_semaphore, #tpu.memory_space<semaphore_mem>>
        %dma_wait3A_118 = arith.constant 0 : i32
        %dma_wait3A_119 = tpu.memref_slice %arg3[%add3A_109, %dma_wait3A_118] : memref<16384x200xi32, #tpu.memory_space<hbm>> -> memref<64x200xi32, #tpu.memory_space<hbm>>
        %dma_wait3A_120 = arith.constant 0 : i32
        %dma_wait3A_121 = arith.constant 0 : i32
        %dma_wait3A_122 = tpu.memref_slice %arg5[%rem3A_61, %dma_wait3A_120, %dma_wait3A_121] : memref<2x64x200xi32, #tpu.memory_space<vmem>> -> memref<1x64x200xi32, #tpu.memory_space<vmem>>
        %dma_wait3A_123 = tpu.memref_squeeze %dma_wait3A_122 : memref<1x64x200xi32, #tpu.memory_space<vmem>> -> memref<64x200xi32, #tpu.memory_space<vmem>>
        tpu.wait_dma2 semaphore(%dma_wait3A_117 : memref<!tpu.dma_semaphore, #tpu.memory_space<semaphore_mem>>) src(%dma_wait3A_123 : memref<64x200xi32, #tpu.memory_space<vmem>>) dst(%dma_wait3A_119 : memref<64x200xi32, #tpu.memory_space<hbm>>)
      } else {
      }
      %parallel_loop3A = arith.constant 0 : i32
      %parallel_loop3A_87 = arith.constant 64 : i32
      %parallel_loop3A_88 = arith.constant 1 : i32
      scf.for %parallel_loop3A_106 = %parallel_loop3A to %parallel_loop3A_87 step %parallel_loop3A_88  : i32 {
        %parallel_loop3A_107 = arith.index_cast %rem3A_61 : i32 to index
        %parallel_loop3A_108 = arith.index_cast %parallel_loop3A_106 : i32 to index
        %parallel_loop3A_109 = arith.constant 0 : index
        %parallel_loop3A_110 = tpu.vector_load %arg4[%parallel_loop3A_107, %parallel_loop3A_108, %parallel_loop3A_109] {strides = array<i32>} : memref<2x64x200xi32, #tpu.memory_space<vmem>>, vector<1x1x16xi32>,
        %parallel_loop3A_111 = vector.shape_cast %parallel_loop3A_110 : vector<1x1x16xi32> to vector<16xi32>
        %parallel_loop3A_112 = arith.constant 16 : i32
        %parallel_loop3A_113 = vector.broadcast %parallel_loop3A_112 : i32 to vector<16xi32>
        %parallel_loop3A_114 = arith.shrui %parallel_loop3A_111, %parallel_loop3A_113 : vector<16xi32>
        %parallel_loop3A_115 = arith.xori %parallel_loop3A_111, %parallel_loop3A_114 : vector<16xi32>
        %parallel_loop3A_116 = arith.constant 73244475 : i32
        %parallel_loop3A_117 = vector.broadcast %parallel_loop3A_116 : i32 to vector<16xi32>
        %parallel_loop3A_118 = arith.muli %parallel_loop3A_115, %parallel_loop3A_117 : vector<16xi32>
        %parallel_loop3A_119 = arith.constant 16 : i32
        %parallel_loop3A_120 = vector.broadcast %parallel_loop3A_119 : i32 to vector<16xi32>
        %parallel_loop3A_121 = arith.shrui %parallel_loop3A_118, %parallel_loop3A_120 : vector<16xi32>
        %parallel_loop3A_122 = arith.xori %parallel_loop3A_118, %parallel_loop3A_121 : vector<16xi32>
        %parallel_loop3A_123 = arith.constant 73244475 : i32
        %parallel_loop3A_124 = vector.broadcast %parallel_loop3A_123 : i32 to vector<16xi32>
        %parallel_loop3A_125 = arith.muli %parallel_loop3A_122, %parallel_loop3A_124 : vector<16xi32>
        %parallel_loop3A_126 = arith.constant 16 : i32
        %parallel_loop3A_127 = vector.broadcast %parallel_loop3A_126 : i32 to vector<16xi32>
        %parallel_loop3A_128 = arith.shrui %parallel_loop3A_125, %parallel_loop3A_127 : vector<16xi32>
        %parallel_loop3A_129 = arith.xori %parallel_loop3A_125, %parallel_loop3A_128 : vector<16xi32>
        %parallel_loop3A_130 = arith.constant 8589 : i32
        %parallel_loop3A_131 = vector.broadcast %parallel_loop3A_130 : i32 to vector<16xi32>
        %parallel_loop3A_132 = arith.muli %parallel_loop3A_128, %parallel_loop3A_131 : vector<16xi32>
        %parallel_loop3A_133 = arith.constant 17 : i32
        %parallel_loop3A_134 = vector.broadcast %parallel_loop3A_133 : i32 to vector<16xi32>
        %parallel_loop3A_135 = arith.shrui %parallel_loop3A_132, %parallel_loop3A_134 : vector<16xi32>
        %parallel_loop3A_136 = arith.constant 999999 : i32
        %parallel_loop3A_137 = vector.broadcast %parallel_loop3A_136 : i32 to vector<16xi32>
        %parallel_loop3A_138 = arith.muli %parallel_loop3A_135, %parallel_loop3A_137 : vector<16xi32>
        %parallel_loop3A_139 = arith.subi %parallel_loop3A_129, %parallel_loop3A_138 : vector<16xi32>
        %parallel_loop3A_140 = arith.constant 999999 : i32
        %parallel_loop3A_141 = vector.broadcast %parallel_loop3A_140 : i32 to vector<16xi32>
        %parallel_loop3A_142 = arith.cmpi sge, %parallel_loop3A_139, %parallel_loop3A_141 : vector<16xi32>
        %parallel_loop3A_143 = arith.constant 999999 : i32
        %parallel_loop3A_144 = vector.broadcast %parallel_loop3A_143 : i32 to vector<16xi32>
        %parallel_loop3A_145 = arith.subi %parallel_loop3A_139, %parallel_loop3A_144 : vector<16xi32>
        %parallel_loop3A_146 = arith.select %parallel_loop3A_142, %parallel_loop3A_145, %parallel_loop3A_139 : vector<16xi1>, vector<16xi32>
        %parallel_loop3A_147 = arith.constant 0 : i32
        %parallel_loop3A_148 = vector.broadcast %parallel_loop3A_147 : i32 to vector<16xi32>
        %parallel_loop3A_149 = arith.cmpi ne, %parallel_loop3A_111, %parallel_loop3A_148 : vector<16xi32>
        %parallel_loop3A_150 = arith.constant 1 : i32
        %parallel_loop3A_151 = vector.broadcast %parallel_loop3A_150 : i32 to vector<16xi32>
        %parallel_loop3A_152 = arith.addi %parallel_loop3A_146, %parallel_loop3A_151 : vector<16xi32>
        %parallel_loop3A_153 = arith.constant 0 : i32
        %parallel_loop3A_154 = vector.broadcast %parallel_loop3A_153 : i32 to vector<16xi32>
        %parallel_loop3A_155 = arith.select %parallel_loop3A_149, %parallel_loop3A_152, %parallel_loop3A_154 : vector<16xi1>, vector<16xi32>
        %parallel_loop3A_156 = arith.index_cast %rem3A_61 : i32 to index
        %parallel_loop3A_157 = arith.index_cast %parallel_loop3A_106 : i32 to index
        %parallel_loop3A_158 = arith.constant 0 : index
        %parallel_loop3A_159 = tpu.vector_load %arg5[%parallel_loop3A_156, %parallel_loop3A_157, %parallel_loop3A_158] {strides = array<i32>} : memref<2x64x200xi32, #tpu.memory_space<vmem>>, vector<1x1x16xi32>,
        %parallel_loop3A_160 = vector.shape_cast %parallel_loop3A_159 : vector<1x1x16xi32> to vector<16xi32>
        %parallel_loop3A_161 = vector.shape_cast %parallel_loop3A_155 : vector<16xi32> to vector<1x1x16xi32>
        tpu.vector_store %arg5[%parallel_loop3A_156, %parallel_loop3A_157, %parallel_loop3A_158], %parallel_loop3A_161 {strides = array<i32>} : memref<2x64x200xi32, #tpu.memory_space<vmem>>, vector<1x1x16xi32>,
        %parallel_loop3A_162 = arith.index_cast %rem3A_61 : i32 to index
        %parallel_loop3A_163 = arith.index_cast %parallel_loop3A_106 : i32 to index
        %parallel_loop3A_164 = arith.constant 16 : index
        %parallel_loop3A_165 = tpu.vector_load %arg4[%parallel_loop3A_162, %parallel_loop3A_163, %parallel_loop3A_164] {strides = array<i32>} : memref<2x64x200xi32, #tpu.memory_space<vmem>>, vector<1x1x16xi32>,
        %parallel_loop3A_166 = vector.shape_cast %parallel_loop3A_165 : vector<1x1x16xi32> to vector<16xi32>
        %parallel_loop3A_167 = arith.constant 16 : i32
        %parallel_loop3A_168 = vector.broadcast %parallel_loop3A_167 : i32 to vector<16xi32>
        %parallel_loop3A_169 = arith.shrui %parallel_loop3A_166, %parallel_loop3A_168 : vector<16xi32>
        %parallel_loop3A_170 = arith.xori %parallel_loop3A_166, %parallel_loop3A_169 : vector<16xi32>
        %parallel_loop3A_171 = arith.constant 73244475 : i32
        %parallel_loop3A_172 = vector.broadcast %parallel_loop3A_171 : i32 to vector<16xi32>
        %parallel_loop3A_173 = arith.muli %parallel_loop3A_170, %parallel_loop3A_172 : vector<16xi32>
        %parallel_loop3A_174 = arith.constant 16 : i32
        %parallel_loop3A_175 = vector.broadcast %parallel_loop3A_174 : i32 to vector<16xi32>
        %parallel_loop3A_176 = arith.shrui %parallel_loop3A_173, %parallel_loop3A_175 : vector<16xi32>
        %parallel_loop3A_177 = arith.xori %parallel_loop3A_173, %parallel_loop3A_176 : vector<16xi32>
        %parallel_loop3A_178 = arith.constant 73244475 : i32
        %parallel_loop3A_179 = vector.broadcast %parallel_loop3A_178 : i32 to vector<16xi32>
        %parallel_loop3A_180 = arith.muli %parallel_loop3A_177, %parallel_loop3A_179 : vector<16xi32>
        %parallel_loop3A_181 = arith.constant 16 : i32
        %parallel_loop3A_182 = vector.broadcast %parallel_loop3A_181 : i32 to vector<16xi32>
        %parallel_loop3A_183 = arith.shrui %parallel_loop3A_180, %parallel_loop3A_182 : vector<16xi32>
        %parallel_loop3A_184 = arith.xori %parallel_loop3A_180, %parallel_loop3A_183 : vector<16xi32>
        %parallel_loop3A_185 = arith.constant 8589 : i32
        %parallel_loop3A_186 = vector.broadcast %parallel_loop3A_185 : i32 to vector<16xi32>
        %parallel_loop3A_187 = arith.muli %parallel_loop3A_183, %parallel_loop3A_186 : vector<16xi32>
        %parallel_loop3A_188 = arith.constant 17 : i32
        %parallel_loop3A_189 = vector.broadcast %parallel_loop3A_188 : i32 to vector<16xi32>
        %parallel_loop3A_190 = arith.shrui %parallel_loop3A_187, %parallel_loop3A_189 : vector<16xi32>
        %parallel_loop3A_191 = arith.constant 999999 : i32
        %parallel_loop3A_192 = vector.broadcast %parallel_loop3A_191 : i32 to vector<16xi32>
        %parallel_loop3A_193 = arith.muli %parallel_loop3A_190, %parallel_loop3A_192 : vector<16xi32>
        %parallel_loop3A_194 = arith.subi %parallel_loop3A_184, %parallel_loop3A_193 : vector<16xi32>
        %parallel_loop3A_195 = arith.constant 999999 : i32
        %parallel_loop3A_196 = vector.broadcast %parallel_loop3A_195 : i32 to vector<16xi32>
        %parallel_loop3A_197 = arith.cmpi sge, %parallel_loop3A_194, %parallel_loop3A_196 : vector<16xi32>
        %parallel_loop3A_198 = arith.constant 999999 : i32
        %parallel_loop3A_199 = vector.broadcast %parallel_loop3A_198 : i32 to vector<16xi32>
        %parallel_loop3A_200 = arith.subi %parallel_loop3A_194, %parallel_loop3A_199 : vector<16xi32>
        %parallel_loop3A_201 = arith.select %parallel_loop3A_197, %parallel_loop3A_200, %parallel_loop3A_194 : vector<16xi1>, vector<16xi32>
        %parallel_loop3A_202 = arith.constant 0 : i32
        %parallel_loop3A_203 = vector.broadcast %parallel_loop3A_202 : i32 to vector<16xi32>
        %parallel_loop3A_204 = arith.cmpi ne, %parallel_loop3A_166, %parallel_loop3A_203 : vector<16xi32>
        %parallel_loop3A_205 = arith.constant 1 : i32
        %parallel_loop3A_206 = vector.broadcast %parallel_loop3A_205 : i32 to vector<16xi32>
        %parallel_loop3A_207 = arith.addi %parallel_loop3A_201, %parallel_loop3A_206 : vector<16xi32>
        %parallel_loop3A_208 = arith.constant 0 : i32
        %parallel_loop3A_209 = vector.broadcast %parallel_loop3A_208 : i32 to vector<16xi32>
        %parallel_loop3A_210 = arith.select %parallel_loop3A_204, %parallel_loop3A_207, %parallel_loop3A_209 : vector<16xi1>, vector<16xi32>
        %parallel_loop3A_211 = arith.index_cast %rem3A_61 : i32 to index
        %parallel_loop3A_212 = arith.index_cast %parallel_loop3A_106 : i32 to index
        %parallel_loop3A_213 = arith.constant 16 : index
        %parallel_loop3A_214 = tpu.vector_load %arg5[%parallel_loop3A_211, %parallel_loop3A_212, %parallel_loop3A_213] {strides = array<i32>} : memref<2x64x200xi32, #tpu.memory_space<vmem>>, vector<1x1x16xi32>,
        %parallel_loop3A_215 = vector.shape_cast %parallel_loop3A_214 : vector<1x1x16xi32> to vector<16xi32>
        %parallel_loop3A_216 = vector.shape_cast %parallel_loop3A_210 : vector<16xi32> to vector<1x1x16xi32>
        tpu.vector_store %arg5[%parallel_loop3A_211, %parallel_loop3A_212, %parallel_loop3A_213], %parallel_loop3A_216 {strides = array<i32>} : memref<2x64x200xi32, #tpu.memory_space<vmem>>, vector<1x1x16xi32>,
        %parallel_loop3A_217 = arith.index_cast %rem3A_61 : i32 to index
        %parallel_loop3A_218 = arith.index_cast %parallel_loop3A_106 : i32 to index
        %parallel_loop3A_219 = arith.constant 32 : index
        %parallel_loop3A_220 = tpu.vector_load %arg4[%parallel_loop3A_217, %parallel_loop3A_218, %parallel_loop3A_219] {strides = array<i32>} : memref<2x64x200xi32, #tpu.memory_space<vmem>>, vector<1x1x16xi32>,
        %parallel_loop3A_221 = vector.shape_cast %parallel_loop3A_220 : vector<1x1x16xi32> to vector<16xi32>
        %parallel_loop3A_222 = arith.constant 16 : i32
        %parallel_loop3A_223 = vector.broadcast %parallel_loop3A_222 : i32 to vector<16xi32>
        %parallel_loop3A_224 = arith.shrui %parallel_loop3A_221, %parallel_loop3A_223 : vector<16xi32>
        %parallel_loop3A_225 = arith.xori %parallel_loop3A_221, %parallel_loop3A_224 : vector<16xi32>
        %parallel_loop3A_226 = arith.constant 73244475 : i32
        %parallel_loop3A_227 = vector.broadcast %parallel_loop3A_226 : i32 to vector<16xi32>
        %parallel_loop3A_228 = arith.muli %parallel_loop3A_225, %parallel_loop3A_227 : vector<16xi32>
        %parallel_loop3A_229 = arith.constant 16 : i32
        %parallel_loop3A_230 = vector.broadcast %parallel_loop3A_229 : i32 to vector<16xi32>
        %parallel_loop3A_231 = arith.shrui %parallel_loop3A_228, %parallel_loop3A_230 : vector<16xi32>
        %parallel_loop3A_232 = arith.xori %parallel_loop3A_228, %parallel_loop3A_231 : vector<16xi32>
        %parallel_loop3A_233 = arith.constant 73244475 : i32
        %parallel_loop3A_234 = vector.broadcast %parallel_loop3A_233 : i32 to vector<16xi32>
        %parallel_loop3A_235 = arith.muli %parallel_loop3A_232, %parallel_loop3A_234 : vector<16xi32>
        %parallel_loop3A_236 = arith.constant 16 : i32
        %parallel_loop3A_237 = vector.broadcast %parallel_loop3A_236 : i32 to vector<16xi32>
        %parallel_loop3A_238 = arith.shrui %parallel_loop3A_235, %parallel_loop3A_237 : vector<16xi32>
        %parallel_loop3A_239 = arith.xori %parallel_loop3A_235, %parallel_loop3A_238 : vector<16xi32>
        %parallel_loop3A_240 = arith.constant 8589 : i32
        %parallel_loop3A_241 = vector.broadcast %parallel_loop3A_240 : i32 to vector<16xi32>
        %parallel_loop3A_242 = arith.muli %parallel_loop3A_238, %parallel_loop3A_241 : vector<16xi32>
        %parallel_loop3A_243 = arith.constant 17 : i32
        %parallel_loop3A_244 = vector.broadcast %parallel_loop3A_243 : i32 to vector<16xi32>
        %parallel_loop3A_245 = arith.shrui %parallel_loop3A_242, %parallel_loop3A_244 : vector<16xi32>
        %parallel_loop3A_246 = arith.constant 999999 : i32
        %parallel_loop3A_247 = vector.broadcast %parallel_loop3A_246 : i32 to vector<16xi32>
        %parallel_loop3A_248 = arith.muli %parallel_loop3A_245, %parallel_loop3A_247 : vector<16xi32>
        %parallel_loop3A_249 = arith.subi %parallel_loop3A_239, %parallel_loop3A_248 : vector<16xi32>
        %parallel_loop3A_250 = arith.constant 999999 : i32
        %parallel_loop3A_251 = vector.broadcast %parallel_loop3A_250 : i32 to vector<16xi32>
        %parallel_loop3A_252 = arith.cmpi sge, %parallel_loop3A_249, %parallel_loop3A_251 : vector<16xi32>
        %parallel_loop3A_253 = arith.constant 999999 : i32
        %parallel_loop3A_254 = vector.broadcast %parallel_loop3A_253 : i32 to vector<16xi32>
        %parallel_loop3A_255 = arith.subi %parallel_loop3A_249, %parallel_loop3A_254 : vector<16xi32>
        %parallel_loop3A_256 = arith.select %parallel_loop3A_252, %parallel_loop3A_255, %parallel_loop3A_249 : vector<16xi1>, vector<16xi32>
        %parallel_loop3A_257 = arith.constant 0 : i32
        %parallel_loop3A_258 = vector.broadcast %parallel_loop3A_257 : i32 to vector<16xi32>
        %parallel_loop3A_259 = arith.cmpi ne, %parallel_loop3A_221, %parallel_loop3A_258 : vector<16xi32>
        %parallel_loop3A_260 = arith.constant 1 : i32
        %parallel_loop3A_261 = vector.broadcast %parallel_loop3A_260 : i32 to vector<16xi32>
        %parallel_loop3A_262 = arith.addi %parallel_loop3A_256, %parallel_loop3A_261 : vector<16xi32>
        %parallel_loop3A_263 = arith.constant 0 : i32
        %parallel_loop3A_264 = vector.broadcast %parallel_loop3A_263 : i32 to vector<16xi32>
        %parallel_loop3A_265 = arith.select %parallel_loop3A_259, %parallel_loop3A_262, %parallel_loop3A_264 : vector<16xi1>, vector<16xi32>
        %parallel_loop3A_266 = arith.index_cast %rem3A_61 : i32 to index
        %parallel_loop3A_267 = arith.index_cast %parallel_loop3A_106 : i32 to index
        %parallel_loop3A_268 = arith.constant 32 : index
        %parallel_loop3A_269 = tpu.vector_load %arg5[%parallel_loop3A_266, %parallel_loop3A_267, %parallel_loop3A_268] {strides = array<i32>} : memref<2x64x200xi32, #tpu.memory_space<vmem>>, vector<1x1x16xi32>,
        %parallel_loop3A_270 = vector.shape_cast %parallel_loop3A_269 : vector<1x1x16xi32> to vector<16xi32>
        %parallel_loop3A_271 = vector.shape_cast %parallel_loop3A_265 : vector<16xi32> to vector<1x1x16xi32>
        tpu.vector_store %arg5[%parallel_loop3A_266, %parallel_loop3A_267, %parallel_loop3A_268], %parallel_loop3A_271 {strides = array<i32>} : memref<2x64x200xi32, #tpu.memory_space<vmem>>, vector<1x1x16xi32>,
        %parallel_loop3A_272 = arith.index_cast %rem3A_61 : i32 to index
        %parallel_loop3A_273 = arith.index_cast %parallel_loop3A_106 : i32 to index
        %parallel_loop3A_274 = arith.constant 48 : index
        %parallel_loop3A_275 = tpu.vector_load %arg4[%parallel_loop3A_272, %parallel_loop3A_273, %parallel_loop3A_274] {strides = array<i32>} : memref<2x64x200xi32, #tpu.memory_space<vmem>>, vector<1x1x16xi32>,
        %parallel_loop3A_276 = vector.shape_cast %parallel_loop3A_275 : vector<1x1x16xi32> to vector<16xi32>
        %parallel_loop3A_277 = arith.constant 16 : i32
        %parallel_loop3A_278 = vector.broadcast %parallel_loop3A_277 : i32 to vector<16xi32>
        %parallel_loop3A_279 = arith.shrui %parallel_loop3A_276, %parallel_loop3A_278 : vector<16xi32>
        %parallel_loop3A_280 = arith.xori %parallel_loop3A_276, %parallel_loop3A_279 : vector<16xi32>
        %parallel_loop3A_281 = arith.constant 73244475 : i32
        %parallel_loop3A_282 = vector.broadcast %parallel_loop3A_281 : i32 to vector<16xi32>
        %parallel_loop3A_283 = arith.muli %parallel_loop3A_280, %parallel_loop3A_282 : vector<16xi32>
        %parallel_loop3A_284 = arith.constant 16 : i32
        %parallel_loop3A_285 = vector.broadcast %parallel_loop3A_284 : i32 to vector<16xi32>
        %parallel_loop3A_286 = arith.shrui %parallel_loop3A_283, %parallel_loop3A_285 : vector<16xi32>
        %parallel_loop3A_287 = arith.xori %parallel_loop3A_283, %parallel_loop3A_286 : vector<16xi32>
        %parallel_loop3A_288 = arith.constant 73244475 : i32
        %parallel_loop3A_289 = vector.broadcast %parallel_loop3A_288 : i32 to vector<16xi32>
        %parallel_loop3A_290 = arith.muli %parallel_loop3A_287, %parallel_loop3A_289 : vector<16xi32>
        %parallel_loop3A_291 = arith.constant 16 : i32
        %parallel_loop3A_292 = vector.broadcast %parallel_loop3A_291 : i32 to vector<16xi32>
        %parallel_loop3A_293 = arith.shrui %parallel_loop3A_290, %parallel_loop3A_292 : vector<16xi32>
        %parallel_loop3A_294 = arith.xori %parallel_loop3A_290, %parallel_loop3A_293 : vector<16xi32>
        %parallel_loop3A_295 = arith.constant 8589 : i32
        %parallel_loop3A_296 = vector.broadcast %parallel_loop3A_295 : i32 to vector<16xi32>
        %parallel_loop3A_297 = arith.muli %parallel_loop3A_293, %parallel_loop3A_296 : vector<16xi32>
        %parallel_loop3A_298 = arith.constant 17 : i32
        %parallel_loop3A_299 = vector.broadcast %parallel_loop3A_298 : i32 to vector<16xi32>
        %parallel_loop3A_300 = arith.shrui %parallel_loop3A_297, %parallel_loop3A_299 : vector<16xi32>
        %parallel_loop3A_301 = arith.constant 999999 : i32
        %parallel_loop3A_302 = vector.broadcast %parallel_loop3A_301 : i32 to vector<16xi32>
        %parallel_loop3A_303 = arith.muli %parallel_loop3A_300, %parallel_loop3A_302 : vector<16xi32>
        %parallel_loop3A_304 = arith.subi %parallel_loop3A_294, %parallel_loop3A_303 : vector<16xi32>
        %parallel_loop3A_305 = arith.constant 999999 : i32
        %parallel_loop3A_306 = vector.broadcast %parallel_loop3A_305 : i32 to vector<16xi32>
        %parallel_loop3A_307 = arith.cmpi sge, %parallel_loop3A_304, %parallel_loop3A_306 : vector<16xi32>
        %parallel_loop3A_308 = arith.constant 999999 : i32
        %parallel_loop3A_309 = vector.broadcast %parallel_loop3A_308 : i32 to vector<16xi32>
        %parallel_loop3A_310 = arith.subi %parallel_loop3A_304, %parallel_loop3A_309 : vector<16xi32>
        %parallel_loop3A_311 = arith.select %parallel_loop3A_307, %parallel_loop3A_310, %parallel_loop3A_304 : vector<16xi1>, vector<16xi32>
        %parallel_loop3A_312 = arith.constant 0 : i32
        %parallel_loop3A_313 = vector.broadcast %parallel_loop3A_312 : i32 to vector<16xi32>
        %parallel_loop3A_314 = arith.cmpi ne, %parallel_loop3A_276, %parallel_loop3A_313 : vector<16xi32>
        %parallel_loop3A_315 = arith.constant 1 : i32
        %parallel_loop3A_316 = vector.broadcast %parallel_loop3A_315 : i32 to vector<16xi32>
        %parallel_loop3A_317 = arith.addi %parallel_loop3A_311, %parallel_loop3A_316 : vector<16xi32>
        %parallel_loop3A_318 = arith.constant 0 : i32
        %parallel_loop3A_319 = vector.broadcast %parallel_loop3A_318 : i32 to vector<16xi32>
        %parallel_loop3A_320 = arith.select %parallel_loop3A_314, %parallel_loop3A_317, %parallel_loop3A_319 : vector<16xi1>, vector<16xi32>
        %parallel_loop3A_321 = arith.index_cast %rem3A_61 : i32 to index
        %parallel_loop3A_322 = arith.index_cast %parallel_loop3A_106 : i32 to index
        %parallel_loop3A_323 = arith.constant 48 : index
        %parallel_loop3A_324 = tpu.vector_load %arg5[%parallel_loop3A_321, %parallel_loop3A_322, %parallel_loop3A_323] {strides = array<i32>} : memref<2x64x200xi32, #tpu.memory_space<vmem>>, vector<1x1x16xi32>,
        %parallel_loop3A_325 = vector.shape_cast %parallel_loop3A_324 : vector<1x1x16xi32> to vector<16xi32>
        %parallel_loop3A_326 = vector.shape_cast %parallel_loop3A_320 : vector<16xi32> to vector<1x1x16xi32>
        tpu.vector_store %arg5[%parallel_loop3A_321, %parallel_loop3A_322, %parallel_loop3A_323], %parallel_loop3A_326 {strides = array<i32>} : memref<2x64x200xi32, #tpu.memory_space<vmem>>, vector<1x1x16xi32>,
        %parallel_loop3A_327 = arith.index_cast %rem3A_61 : i32 to index
        %parallel_loop3A_328 = arith.index_cast %parallel_loop3A_106 : i32 to index
        %parallel_loop3A_329 = arith.constant 64 : index
        %parallel_loop3A_330 = tpu.vector_load %arg4[%parallel_loop3A_327, %parallel_loop3A_328, %parallel_loop3A_329] {strides = array<i32>} : memref<2x64x200xi32, #tpu.memory_space<vmem>>, vector<1x1x16xi32>,
        %parallel_loop3A_331 = vector.shape_cast %parallel_loop3A_330 : vector<1x1x16xi32> to vector<16xi32>
        %parallel_loop3A_332 = arith.constant 16 : i32
        %parallel_loop3A_333 = vector.broadcast %parallel_loop3A_332 : i32 to vector<16xi32>
        %parallel_loop3A_334 = arith.shrui %parallel_loop3A_331, %parallel_loop3A_333 : vector<16xi32>
        %parallel_loop3A_335 = arith.xori %parallel_loop3A_331, %parallel_loop3A_334 : vector<16xi32>
        %parallel_loop3A_336 = arith.constant 73244475 : i32
        %parallel_loop3A_337 = vector.broadcast %parallel_loop3A_336 : i32 to vector<16xi32>
        %parallel_loop3A_338 = arith.muli %parallel_loop3A_335, %parallel_loop3A_337 : vector<16xi32>
        %parallel_loop3A_339 = arith.constant 16 : i32
        %parallel_loop3A_340 = vector.broadcast %parallel_loop3A_339 : i32 to vector<16xi32>
        %parallel_loop3A_341 = arith.shrui %parallel_loop3A_338, %parallel_loop3A_340 : vector<16xi32>
        %parallel_loop3A_342 = arith.xori %parallel_loop3A_338, %parallel_loop3A_341 : vector<16xi32>
        %parallel_loop3A_343 = arith.constant 73244475 : i32
        %parallel_loop3A_344 = vector.broadcast %parallel_loop3A_343 : i32 to vector<16xi32>
        %parallel_loop3A_345 = arith.muli %parallel_loop3A_342, %parallel_loop3A_344 : vector<16xi32>
        %parallel_loop3A_346 = arith.constant 16 : i32
        %parallel_loop3A_347 = vector.broadcast %parallel_loop3A_346 : i32 to vector<16xi32>
        %parallel_loop3A_348 = arith.shrui %parallel_loop3A_345, %parallel_loop3A_347 : vector<16xi32>
        %parallel_loop3A_349 = arith.xori %parallel_loop3A_345, %parallel_loop3A_348 : vector<16xi32>
        %parallel_loop3A_350 = arith.constant 8589 : i32
        %parallel_loop3A_351 = vector.broadcast %parallel_loop3A_350 : i32 to vector<16xi32>
        %parallel_loop3A_352 = arith.muli %parallel_loop3A_348, %parallel_loop3A_351 : vector<16xi32>
        %parallel_loop3A_353 = arith.constant 17 : i32
        %parallel_loop3A_354 = vector.broadcast %parallel_loop3A_353 : i32 to vector<16xi32>
        %parallel_loop3A_355 = arith.shrui %parallel_loop3A_352, %parallel_loop3A_354 : vector<16xi32>
        %parallel_loop3A_356 = arith.constant 999999 : i32
        %parallel_loop3A_357 = vector.broadcast %parallel_loop3A_356 : i32 to vector<16xi32>
        %parallel_loop3A_358 = arith.muli %parallel_loop3A_355, %parallel_loop3A_357 : vector<16xi32>
        %parallel_loop3A_359 = arith.subi %parallel_loop3A_349, %parallel_loop3A_358 : vector<16xi32>
        %parallel_loop3A_360 = arith.constant 999999 : i32
        %parallel_loop3A_361 = vector.broadcast %parallel_loop3A_360 : i32 to vector<16xi32>
        %parallel_loop3A_362 = arith.cmpi sge, %parallel_loop3A_359, %parallel_loop3A_361 : vector<16xi32>
        %parallel_loop3A_363 = arith.constant 999999 : i32
        %parallel_loop3A_364 = vector.broadcast %parallel_loop3A_363 : i32 to vector<16xi32>
        %parallel_loop3A_365 = arith.subi %parallel_loop3A_359, %parallel_loop3A_364 : vector<16xi32>
        %parallel_loop3A_366 = arith.select %parallel_loop3A_362, %parallel_loop3A_365, %parallel_loop3A_359 : vector<16xi1>, vector<16xi32>
        %parallel_loop3A_367 = arith.constant 0 : i32
        %parallel_loop3A_368 = vector.broadcast %parallel_loop3A_367 : i32 to vector<16xi32>
        %parallel_loop3A_369 = arith.cmpi ne, %parallel_loop3A_331, %parallel_loop3A_368 : vector<16xi32>
        %parallel_loop3A_370 = arith.constant 1 : i32
        %parallel_loop3A_371 = vector.broadcast %parallel_loop3A_370 : i32 to vector<16xi32>
        %parallel_loop3A_372 = arith.addi %parallel_loop3A_366, %parallel_loop3A_371 : vector<16xi32>
        %parallel_loop3A_373 = arith.constant 0 : i32
        %parallel_loop3A_374 = vector.broadcast %parallel_loop3A_373 : i32 to vector<16xi32>
        %parallel_loop3A_375 = arith.select %parallel_loop3A_369, %parallel_loop3A_372, %parallel_loop3A_374 : vector<16xi1>, vector<16xi32>
        %parallel_loop3A_376 = arith.index_cast %rem3A_61 : i32 to index
        %parallel_loop3A_377 = arith.index_cast %parallel_loop3A_106 : i32 to index
        %parallel_loop3A_378 = arith.constant 64 : index
        %parallel_loop3A_379 = tpu.vector_load %arg5[%parallel_loop3A_376, %parallel_loop3A_377, %parallel_loop3A_378] {strides = array<i32>} : memref<2x64x200xi32, #tpu.memory_space<vmem>>, vector<1x1x16xi32>,
        %parallel_loop3A_380 = vector.shape_cast %parallel_loop3A_379 : vector<1x1x16xi32> to vector<16xi32>
        %parallel_loop3A_381 = vector.shape_cast %parallel_loop3A_375 : vector<16xi32> to vector<1x1x16xi32>
        tpu.vector_store %arg5[%parallel_loop3A_376, %parallel_loop3A_377, %parallel_loop3A_378], %parallel_loop3A_381 {strides = array<i32>} : memref<2x64x200xi32, #tpu.memory_space<vmem>>, vector<1x1x16xi32>,
        %parallel_loop3A_382 = arith.index_cast %rem3A_61 : i32 to index
        %parallel_loop3A_383 = arith.index_cast %parallel_loop3A_106 : i32 to index
        %parallel_loop3A_384 = arith.constant 80 : index
        %parallel_loop3A_385 = tpu.vector_load %arg4[%parallel_loop3A_382, %parallel_loop3A_383, %parallel_loop3A_384] {strides = array<i32>} : memref<2x64x200xi32, #tpu.memory_space<vmem>>, vector<1x1x16xi32>,
        %parallel_loop3A_386 = vector.shape_cast %parallel_loop3A_385 : vector<1x1x16xi32> to vector<16xi32>
        %parallel_loop3A_387 = arith.constant 16 : i32
        %parallel_loop3A_388 = vector.broadcast %parallel_loop3A_387 : i32 to vector<16xi32>
        %parallel_loop3A_389 = arith.shrui %parallel_loop3A_386, %parallel_loop3A_388 : vector<16xi32>
        %parallel_loop3A_390 = arith.xori %parallel_loop3A_386, %parallel_loop3A_389 : vector<16xi32>
        %parallel_loop3A_391 = arith.constant 73244475 : i32
        %parallel_loop3A_392 = vector.broadcast %parallel_loop3A_391 : i32 to vector<16xi32>
        %parallel_loop3A_393 = arith.muli %parallel_loop3A_390, %parallel_loop3A_392 : vector<16xi32>
        %parallel_loop3A_394 = arith.constant 16 : i32
        %parallel_loop3A_395 = vector.broadcast %parallel_loop3A_394 : i32 to vector<16xi32>
        %parallel_loop3A_396 = arith.shrui %parallel_loop3A_393, %parallel_loop3A_395 : vector<16xi32>
        %parallel_loop3A_397 = arith.xori %parallel_loop3A_393, %parallel_loop3A_396 : vector<16xi32>
        %parallel_loop3A_398 = arith.constant 73244475 : i32
        %parallel_loop3A_399 = vector.broadcast %parallel_loop3A_398 : i32 to vector<16xi32>
        %parallel_loop3A_400 = arith.muli %parallel_loop3A_397, %parallel_loop3A_399 : vector<16xi32>
        %parallel_loop3A_401 = arith.constant 16 : i32
        %parallel_loop3A_402 = vector.broadcast %parallel_loop3A_401 : i32 to vector<16xi32>
        %parallel_loop3A_403 = arith.shrui %parallel_loop3A_400, %parallel_loop3A_402 : vector<16xi32>
        %parallel_loop3A_404 = arith.xori %parallel_loop3A_400, %parallel_loop3A_403 : vector<16xi32>
        %parallel_loop3A_405 = arith.constant 8589 : i32
        %parallel_loop3A_406 = vector.broadcast %parallel_loop3A_405 : i32 to vector<16xi32>
        %parallel_loop3A_407 = arith.muli %parallel_loop3A_403, %parallel_loop3A_406 : vector<16xi32>
        %parallel_loop3A_408 = arith.constant 17 : i32
        %parallel_loop3A_409 = vector.broadcast %parallel_loop3A_408 : i32 to vector<16xi32>
        %parallel_loop3A_410 = arith.shrui %parallel_loop3A_407, %parallel_loop3A_409 : vector<16xi32>
        %parallel_loop3A_411 = arith.constant 999999 : i32
        %parallel_loop3A_412 = vector.broadcast %parallel_loop3A_411 : i32 to vector<16xi32>
        %parallel_loop3A_413 = arith.muli %parallel_loop3A_410, %parallel_loop3A_412 : vector<16xi32>
        %parallel_loop3A_414 = arith.subi %parallel_loop3A_404, %parallel_loop3A_413 : vector<16xi32>
        %parallel_loop3A_415 = arith.constant 999999 : i32
        %parallel_loop3A_416 = vector.broadcast %parallel_loop3A_415 : i32 to vector<16xi32>
        %parallel_loop3A_417 = arith.cmpi sge, %parallel_loop3A_414, %parallel_loop3A_416 : vector<16xi32>
        %parallel_loop3A_418 = arith.constant 999999 : i32
        %parallel_loop3A_419 = vector.broadcast %parallel_loop3A_418 : i32 to vector<16xi32>
        %parallel_loop3A_420 = arith.subi %parallel_loop3A_414, %parallel_loop3A_419 : vector<16xi32>
        %parallel_loop3A_421 = arith.select %parallel_loop3A_417, %parallel_loop3A_420, %parallel_loop3A_414 : vector<16xi1>, vector<16xi32>
        %parallel_loop3A_422 = arith.constant 0 : i32
        %parallel_loop3A_423 = vector.broadcast %parallel_loop3A_422 : i32 to vector<16xi32>
        %parallel_loop3A_424 = arith.cmpi ne, %parallel_loop3A_386, %parallel_loop3A_423 : vector<16xi32>
        %parallel_loop3A_425 = arith.constant 1 : i32
        %parallel_loop3A_426 = vector.broadcast %parallel_loop3A_425 : i32 to vector<16xi32>
        %parallel_loop3A_427 = arith.addi %parallel_loop3A_421, %parallel_loop3A_426 : vector<16xi32>
        %parallel_loop3A_428 = arith.constant 0 : i32
        %parallel_loop3A_429 = vector.broadcast %parallel_loop3A_428 : i32 to vector<16xi32>
        %parallel_loop3A_430 = arith.select %parallel_loop3A_424, %parallel_loop3A_427, %parallel_loop3A_429 : vector<16xi1>, vector<16xi32>
        %parallel_loop3A_431 = arith.index_cast %rem3A_61 : i32 to index
        %parallel_loop3A_432 = arith.index_cast %parallel_loop3A_106 : i32 to index
        %parallel_loop3A_433 = arith.constant 80 : index
        %parallel_loop3A_434 = tpu.vector_load %arg5[%parallel_loop3A_431, %parallel_loop3A_432, %parallel_loop3A_433] {strides = array<i32>} : memref<2x64x200xi32, #tpu.memory_space<vmem>>, vector<1x1x16xi32>,
        %parallel_loop3A_435 = vector.shape_cast %parallel_loop3A_434 : vector<1x1x16xi32> to vector<16xi32>
        %parallel_loop3A_436 = vector.shape_cast %parallel_loop3A_430 : vector<16xi32> to vector<1x1x16xi32>
        tpu.vector_store %arg5[%parallel_loop3A_431, %parallel_loop3A_432, %parallel_loop3A_433], %parallel_loop3A_436 {strides = array<i32>} : memref<2x64x200xi32, #tpu.memory_space<vmem>>, vector<1x1x16xi32>,
        %parallel_loop3A_437 = arith.index_cast %rem3A_61 : i32 to index
        %parallel_loop3A_438 = arith.index_cast %parallel_loop3A_106 : i32 to index
        %parallel_loop3A_439 = arith.constant 96 : index
        %parallel_loop3A_440 = tpu.vector_load %arg4[%parallel_loop3A_437, %parallel_loop3A_438, %parallel_loop3A_439] {strides = array<i32>} : memref<2x64x200xi32, #tpu.memory_space<vmem>>, vector<1x1x16xi32>,
        %parallel_loop3A_441 = vector.shape_cast %parallel_loop3A_440 : vector<1x1x16xi32> to vector<16xi32>
        %parallel_loop3A_442 = arith.constant 16 : i32
        %parallel_loop3A_443 = vector.broadcast %parallel_loop3A_442 : i32 to vector<16xi32>
        %parallel_loop3A_444 = arith.shrui %parallel_loop3A_441, %parallel_loop3A_443 : vector<16xi32>
        %parallel_loop3A_445 = arith.xori %parallel_loop3A_441, %parallel_loop3A_444 : vector<16xi32>
        %parallel_loop3A_446 = arith.constant 73244475 : i32
        %parallel_loop3A_447 = vector.broadcast %parallel_loop3A_446 : i32 to vector<16xi32>
        %parallel_loop3A_448 = arith.muli %parallel_loop3A_445, %parallel_loop3A_447 : vector<16xi32>
        %parallel_loop3A_449 = arith.constant 16 : i32
        %parallel_loop3A_450 = vector.broadcast %parallel_loop3A_449 : i32 to vector<16xi32>
        %parallel_loop3A_451 = arith.shrui %parallel_loop3A_448, %parallel_loop3A_450 : vector<16xi32>
        %parallel_loop3A_452 = arith.xori %parallel_loop3A_448, %parallel_loop3A_451 : vector<16xi32>
        %parallel_loop3A_453 = arith.constant 73244475 : i32
        %parallel_loop3A_454 = vector.broadcast %parallel_loop3A_453 : i32 to vector<16xi32>
        %parallel_loop3A_455 = arith.muli %parallel_loop3A_452, %parallel_loop3A_454 : vector<16xi32>
        %parallel_loop3A_456 = arith.constant 16 : i32
        %parallel_loop3A_457 = vector.broadcast %parallel_loop3A_456 : i32 to vector<16xi32>
        %parallel_loop3A_458 = arith.shrui %parallel_loop3A_455, %parallel_loop3A_457 : vector<16xi32>
        %parallel_loop3A_459 = arith.xori %parallel_loop3A_455, %parallel_loop3A_458 : vector<16xi32>
        %parallel_loop3A_460 = arith.constant 8589 : i32
        %parallel_loop3A_461 = vector.broadcast %parallel_loop3A_460 : i32 to vector<16xi32>
        %parallel_loop3A_462 = arith.muli %parallel_loop3A_458, %parallel_loop3A_461 : vector<16xi32>
        %parallel_loop3A_463 = arith.constant 17 : i32
        %parallel_loop3A_464 = vector.broadcast %parallel_loop3A_463 : i32 to vector<16xi32>
        %parallel_loop3A_465 = arith.shrui %parallel_loop3A_462, %parallel_loop3A_464 : vector<16xi32>
        %parallel_loop3A_466 = arith.constant 999999 : i32
        %parallel_loop3A_467 = vector.broadcast %parallel_loop3A_466 : i32 to vector<16xi32>
        %parallel_loop3A_468 = arith.muli %parallel_loop3A_465, %parallel_loop3A_467 : vector<16xi32>
        %parallel_loop3A_469 = arith.subi %parallel_loop3A_459, %parallel_loop3A_468 : vector<16xi32>
        %parallel_loop3A_470 = arith.constant 999999 : i32
        %parallel_loop3A_471 = vector.broadcast %parallel_loop3A_470 : i32 to vector<16xi32>
        %parallel_loop3A_472 = arith.cmpi sge, %parallel_loop3A_469, %parallel_loop3A_471 : vector<16xi32>
        %parallel_loop3A_473 = arith.constant 999999 : i32
        %parallel_loop3A_474 = vector.broadcast %parallel_loop3A_473 : i32 to vector<16xi32>
        %parallel_loop3A_475 = arith.subi %parallel_loop3A_469, %parallel_loop3A_474 : vector<16xi32>
        %parallel_loop3A_476 = arith.select %parallel_loop3A_472, %parallel_loop3A_475, %parallel_loop3A_469 : vector<16xi1>, vector<16xi32>
        %parallel_loop3A_477 = arith.constant 0 : i32
        %parallel_loop3A_478 = vector.broadcast %parallel_loop3A_477 : i32 to vector<16xi32>
        %parallel_loop3A_479 = arith.cmpi ne, %parallel_loop3A_441, %parallel_loop3A_478 : vector<16xi32>
        %parallel_loop3A_480 = arith.constant 1 : i32
        %parallel_loop3A_481 = vector.broadcast %parallel_loop3A_480 : i32 to vector<16xi32>
        %parallel_loop3A_482 = arith.addi %parallel_loop3A_476, %parallel_loop3A_481 : vector<16xi32>
        %parallel_loop3A_483 = arith.constant 0 : i32
        %parallel_loop3A_484 = vector.broadcast %parallel_loop3A_483 : i32 to vector<16xi32>
        %parallel_loop3A_485 = arith.select %parallel_loop3A_479, %parallel_loop3A_482, %parallel_loop3A_484 : vector<16xi1>, vector<16xi32>
        %parallel_loop3A_486 = arith.index_cast %rem3A_61 : i32 to index
        %parallel_loop3A_487 = arith.index_cast %parallel_loop3A_106 : i32 to index
        %parallel_loop3A_488 = arith.constant 96 : index
        %parallel_loop3A_489 = tpu.vector_load %arg5[%parallel_loop3A_486, %parallel_loop3A_487, %parallel_loop3A_488] {strides = array<i32>} : memref<2x64x200xi32, #tpu.memory_space<vmem>>, vector<1x1x16xi32>,
        %parallel_loop3A_490 = vector.shape_cast %parallel_loop3A_489 : vector<1x1x16xi32> to vector<16xi32>
        %parallel_loop3A_491 = vector.shape_cast %parallel_loop3A_485 : vector<16xi32> to vector<1x1x16xi32>
        tpu.vector_store %arg5[%parallel_loop3A_486, %parallel_loop3A_487, %parallel_loop3A_488], %parallel_loop3A_491 {strides = array<i32>} : memref<2x64x200xi32, #tpu.memory_space<vmem>>, vector<1x1x16xi32>,
        %parallel_loop3A_492 = arith.index_cast %rem3A_61 : i32 to index
        %parallel_loop3A_493 = arith.index_cast %parallel_loop3A_106 : i32 to index
        %parallel_loop3A_494 = arith.constant 112 : index
        %parallel_loop3A_495 = tpu.vector_load %arg4[%parallel_loop3A_492, %parallel_loop3A_493, %parallel_loop3A_494] {strides = array<i32>} : memref<2x64x200xi32, #tpu.memory_space<vmem>>, vector<1x1x16xi32>,
        %parallel_loop3A_496 = vector.shape_cast %parallel_loop3A_495 : vector<1x1x16xi32> to vector<16xi32>
        %parallel_loop3A_497 = arith.constant 16 : i32
        %parallel_loop3A_498 = vector.broadcast %parallel_loop3A_497 : i32 to vector<16xi32>
        %parallel_loop3A_499 = arith.shrui %parallel_loop3A_496, %parallel_loop3A_498 : vector<16xi32>
        %parallel_loop3A_500 = arith.xori %parallel_loop3A_496, %parallel_loop3A_499 : vector<16xi32>
        %parallel_loop3A_501 = arith.constant 73244475 : i32
        %parallel_loop3A_502 = vector.broadcast %parallel_loop3A_501 : i32 to vector<16xi32>
        %parallel_loop3A_503 = arith.muli %parallel_loop3A_500, %parallel_loop3A_502 : vector<16xi32>
        %parallel_loop3A_504 = arith.constant 16 : i32
        %parallel_loop3A_505 = vector.broadcast %parallel_loop3A_504 : i32 to vector<16xi32>
        %parallel_loop3A_506 = arith.shrui %parallel_loop3A_503, %parallel_loop3A_505 : vector<16xi32>
        %parallel_loop3A_507 = arith.xori %parallel_loop3A_503, %parallel_loop3A_506 : vector<16xi32>
        %parallel_loop3A_508 = arith.constant 73244475 : i32
        %parallel_loop3A_509 = vector.broadcast %parallel_loop3A_508 : i32 to vector<16xi32>
        %parallel_loop3A_510 = arith.muli %parallel_loop3A_507, %parallel_loop3A_509 : vector<16xi32>
        %parallel_loop3A_511 = arith.constant 16 : i32
        %parallel_loop3A_512 = vector.broadcast %parallel_loop3A_511 : i32 to vector<16xi32>
        %parallel_loop3A_513 = arith.shrui %parallel_loop3A_510, %parallel_loop3A_512 : vector<16xi32>
        %parallel_loop3A_514 = arith.xori %parallel_loop3A_510, %parallel_loop3A_513 : vector<16xi32>
        %parallel_loop3A_515 = arith.constant 8589 : i32
        %parallel_loop3A_516 = vector.broadcast %parallel_loop3A_515 : i32 to vector<16xi32>
        %parallel_loop3A_517 = arith.muli %parallel_loop3A_513, %parallel_loop3A_516 : vector<16xi32>
        %parallel_loop3A_518 = arith.constant 17 : i32
        %parallel_loop3A_519 = vector.broadcast %parallel_loop3A_518 : i32 to vector<16xi32>
        %parallel_loop3A_520 = arith.shrui %parallel_loop3A_517, %parallel_loop3A_519 : vector<16xi32>
        %parallel_loop3A_521 = arith.constant 999999 : i32
        %parallel_loop3A_522 = vector.broadcast %parallel_loop3A_521 : i32 to vector<16xi32>
        %parallel_loop3A_523 = arith.muli %parallel_loop3A_520, %parallel_loop3A_522 : vector<16xi32>
        %parallel_loop3A_524 = arith.subi %parallel_loop3A_514, %parallel_loop3A_523 : vector<16xi32>
        %parallel_loop3A_525 = arith.constant 999999 : i32
        %parallel_loop3A_526 = vector.broadcast %parallel_loop3A_525 : i32 to vector<16xi32>
        %parallel_loop3A_527 = arith.cmpi sge, %parallel_loop3A_524, %parallel_loop3A_526 : vector<16xi32>
        %parallel_loop3A_528 = arith.constant 999999 : i32
        %parallel_loop3A_529 = vector.broadcast %parallel_loop3A_528 : i32 to vector<16xi32>
        %parallel_loop3A_530 = arith.subi %parallel_loop3A_524, %parallel_loop3A_529 : vector<16xi32>
        %parallel_loop3A_531 = arith.select %parallel_loop3A_527, %parallel_loop3A_530, %parallel_loop3A_524 : vector<16xi1>, vector<16xi32>
        %parallel_loop3A_532 = arith.constant 0 : i32
        %parallel_loop3A_533 = vector.broadcast %parallel_loop3A_532 : i32 to vector<16xi32>
        %parallel_loop3A_534 = arith.cmpi ne, %parallel_loop3A_496, %parallel_loop3A_533 : vector<16xi32>
        %parallel_loop3A_535 = arith.constant 1 : i32
        %parallel_loop3A_536 = vector.broadcast %parallel_loop3A_535 : i32 to vector<16xi32>
        %parallel_loop3A_537 = arith.addi %parallel_loop3A_531, %parallel_loop3A_536 : vector<16xi32>
        %parallel_loop3A_538 = arith.constant 0 : i32
        %parallel_loop3A_539 = vector.broadcast %parallel_loop3A_538 : i32 to vector<16xi32>
        %parallel_loop3A_540 = arith.select %parallel_loop3A_534, %parallel_loop3A_537, %parallel_loop3A_539 : vector<16xi1>, vector<16xi32>
        %parallel_loop3A_541 = arith.index_cast %rem3A_61 : i32 to index
        %parallel_loop3A_542 = arith.index_cast %parallel_loop3A_106 : i32 to index
        %parallel_loop3A_543 = arith.constant 112 : index
        %parallel_loop3A_544 = tpu.vector_load %arg5[%parallel_loop3A_541, %parallel_loop3A_542, %parallel_loop3A_543] {strides = array<i32>} : memref<2x64x200xi32, #tpu.memory_space<vmem>>, vector<1x1x16xi32>,
        %parallel_loop3A_545 = vector.shape_cast %parallel_loop3A_544 : vector<1x1x16xi32> to vector<16xi32>
        %parallel_loop3A_546 = vector.shape_cast %parallel_loop3A_540 : vector<16xi32> to vector<1x1x16xi32>
        tpu.vector_store %arg5[%parallel_loop3A_541, %parallel_loop3A_542, %parallel_loop3A_543], %parallel_loop3A_546 {strides = array<i32>} : memref<2x64x200xi32, #tpu.memory_space<vmem>>, vector<1x1x16xi32>,
        %parallel_loop3A_547 = arith.index_cast %rem3A_61 : i32 to index
        %parallel_loop3A_548 = arith.index_cast %parallel_loop3A_106 : i32 to index
        %parallel_loop3A_549 = arith.constant 128 : index
        %parallel_loop3A_550 = tpu.vector_load %arg4[%parallel_loop3A_547, %parallel_loop3A_548, %parallel_loop3A_549] {strides = array<i32>} : memref<2x64x200xi32, #tpu.memory_space<vmem>>, vector<1x1x16xi32>,
        %parallel_loop3A_551 = vector.shape_cast %parallel_loop3A_550 : vector<1x1x16xi32> to vector<16xi32>
        %parallel_loop3A_552 = arith.constant 16 : i32
        %parallel_loop3A_553 = vector.broadcast %parallel_loop3A_552 : i32 to vector<16xi32>
        %parallel_loop3A_554 = arith.shrui %parallel_loop3A_551, %parallel_loop3A_553 : vector<16xi32>
        %parallel_loop3A_555 = arith.xori %parallel_loop3A_551, %parallel_loop3A_554 : vector<16xi32>
        %parallel_loop3A_556 = arith.constant 73244475 : i32
        %parallel_loop3A_557 = vector.broadcast %parallel_loop3A_556 : i32 to vector<16xi32>
        %parallel_loop3A_558 = arith.muli %parallel_loop3A_555, %parallel_loop3A_557 : vector<16xi32>
        %parallel_loop3A_559 = arith.constant 16 : i32
        %parallel_loop3A_560 = vector.broadcast %parallel_loop3A_559 : i32 to vector<16xi32>
        %parallel_loop3A_561 = arith.shrui %parallel_loop3A_558, %parallel_loop3A_560 : vector<16xi32>
        %parallel_loop3A_562 = arith.xori %parallel_loop3A_558, %parallel_loop3A_561 : vector<16xi32>
        %parallel_loop3A_563 = arith.constant 73244475 : i32
        %parallel_loop3A_564 = vector.broadcast %parallel_loop3A_563 : i32 to vector<16xi32>
        %parallel_loop3A_565 = arith.muli %parallel_loop3A_562, %parallel_loop3A_564 : vector<16xi32>
        %parallel_loop3A_566 = arith.constant 16 : i32
        %parallel_loop3A_567 = vector.broadcast %parallel_loop3A_566 : i32 to vector<16xi32>
        %parallel_loop3A_568 = arith.shrui %parallel_loop3A_565, %parallel_loop3A_567 : vector<16xi32>
        %parallel_loop3A_569 = arith.xori %parallel_loop3A_565, %parallel_loop3A_568 : vector<16xi32>
        %parallel_loop3A_570 = arith.constant 8589 : i32
        %parallel_loop3A_571 = vector.broadcast %parallel_loop3A_570 : i32 to vector<16xi32>
        %parallel_loop3A_572 = arith.muli %parallel_loop3A_568, %parallel_loop3A_571 : vector<16xi32>
        %parallel_loop3A_573 = arith.constant 17 : i32
        %parallel_loop3A_574 = vector.broadcast %parallel_loop3A_573 : i32 to vector<16xi32>
        %parallel_loop3A_575 = arith.shrui %parallel_loop3A_572, %parallel_loop3A_574 : vector<16xi32>
        %parallel_loop3A_576 = arith.constant 999999 : i32
        %parallel_loop3A_577 = vector.broadcast %parallel_loop3A_576 : i32 to vector<16xi32>
        %parallel_loop3A_578 = arith.muli %parallel_loop3A_575, %parallel_loop3A_577 : vector<16xi32>
        %parallel_loop3A_579 = arith.subi %parallel_loop3A_569, %parallel_loop3A_578 : vector<16xi32>
        %parallel_loop3A_580 = arith.constant 999999 : i32
        %parallel_loop3A_581 = vector.broadcast %parallel_loop3A_580 : i32 to vector<16xi32>
        %parallel_loop3A_582 = arith.cmpi sge, %parallel_loop3A_579, %parallel_loop3A_581 : vector<16xi32>
        %parallel_loop3A_583 = arith.constant 999999 : i32
        %parallel_loop3A_584 = vector.broadcast %parallel_loop3A_583 : i32 to vector<16xi32>
        %parallel_loop3A_585 = arith.subi %parallel_loop3A_579, %parallel_loop3A_584 : vector<16xi32>
        %parallel_loop3A_586 = arith.select %parallel_loop3A_582, %parallel_loop3A_585, %parallel_loop3A_579 : vector<16xi1>, vector<16xi32>
        %parallel_loop3A_587 = arith.constant 0 : i32
        %parallel_loop3A_588 = vector.broadcast %parallel_loop3A_587 : i32 to vector<16xi32>
        %parallel_loop3A_589 = arith.cmpi ne, %parallel_loop3A_551, %parallel_loop3A_588 : vector<16xi32>
        %parallel_loop3A_590 = arith.constant 1 : i32
        %parallel_loop3A_591 = vector.broadcast %parallel_loop3A_590 : i32 to vector<16xi32>
        %parallel_loop3A_592 = arith.addi %parallel_loop3A_586, %parallel_loop3A_591 : vector<16xi32>
        %parallel_loop3A_593 = arith.constant 0 : i32
        %parallel_loop3A_594 = vector.broadcast %parallel_loop3A_593 : i32 to vector<16xi32>
        %parallel_loop3A_595 = arith.select %parallel_loop3A_589, %parallel_loop3A_592, %parallel_loop3A_594 : vector<16xi1>, vector<16xi32>
        %parallel_loop3A_596 = arith.index_cast %rem3A_61 : i32 to index
        %parallel_loop3A_597 = arith.index_cast %parallel_loop3A_106 : i32 to index
        %parallel_loop3A_598 = arith.constant 128 : index
        %parallel_loop3A_599 = tpu.vector_load %arg5[%parallel_loop3A_596, %parallel_loop3A_597, %parallel_loop3A_598] {strides = array<i32>} : memref<2x64x200xi32, #tpu.memory_space<vmem>>, vector<1x1x16xi32>,
        %parallel_loop3A_600 = vector.shape_cast %parallel_loop3A_599 : vector<1x1x16xi32> to vector<16xi32>
        %parallel_loop3A_601 = vector.shape_cast %parallel_loop3A_595 : vector<16xi32> to vector<1x1x16xi32>
        tpu.vector_store %arg5[%parallel_loop3A_596, %parallel_loop3A_597, %parallel_loop3A_598], %parallel_loop3A_601 {strides = array<i32>} : memref<2x64x200xi32, #tpu.memory_space<vmem>>, vector<1x1x16xi32>,
        %parallel_loop3A_602 = arith.index_cast %rem3A_61 : i32 to index
        %parallel_loop3A_603 = arith.index_cast %parallel_loop3A_106 : i32 to index
        %parallel_loop3A_604 = arith.constant 144 : index
        %parallel_loop3A_605 = tpu.vector_load %arg4[%parallel_loop3A_602, %parallel_loop3A_603, %parallel_loop3A_604] {strides = array<i32>} : memref<2x64x200xi32, #tpu.memory_space<vmem>>, vector<1x1x16xi32>,
        %parallel_loop3A_606 = vector.shape_cast %parallel_loop3A_605 : vector<1x1x16xi32> to vector<16xi32>
        %parallel_loop3A_607 = arith.constant 16 : i32
        %parallel_loop3A_608 = vector.broadcast %parallel_loop3A_607 : i32 to vector<16xi32>
        %parallel_loop3A_609 = arith.shrui %parallel_loop3A_606, %parallel_loop3A_608 : vector<16xi32>
        %parallel_loop3A_610 = arith.xori %parallel_loop3A_606, %parallel_loop3A_609 : vector<16xi32>
        %parallel_loop3A_611 = arith.constant 73244475 : i32
        %parallel_loop3A_612 = vector.broadcast %parallel_loop3A_611 : i32 to vector<16xi32>
        %parallel_loop3A_613 = arith.muli %parallel_loop3A_610, %parallel_loop3A_612 : vector<16xi32>
        %parallel_loop3A_614 = arith.constant 16 : i32
        %parallel_loop3A_615 = vector.broadcast %parallel_loop3A_614 : i32 to vector<16xi32>
        %parallel_loop3A_616 = arith.shrui %parallel_loop3A_613, %parallel_loop3A_615 : vector<16xi32>
        %parallel_loop3A_617 = arith.xori %parallel_loop3A_613, %parallel_loop3A_616 : vector<16xi32>
        %parallel_loop3A_618 = arith.constant 73244475 : i32
        %parallel_loop3A_619 = vector.broadcast %parallel_loop3A_618 : i32 to vector<16xi32>
        %parallel_loop3A_620 = arith.muli %parallel_loop3A_617, %parallel_loop3A_619 : vector<16xi32>
        %parallel_loop3A_621 = arith.constant 16 : i32
        %parallel_loop3A_622 = vector.broadcast %parallel_loop3A_621 : i32 to vector<16xi32>
        %parallel_loop3A_623 = arith.shrui %parallel_loop3A_620, %parallel_loop3A_622 : vector<16xi32>
        %parallel_loop3A_624 = arith.xori %parallel_loop3A_620, %parallel_loop3A_623 : vector<16xi32>
        %parallel_loop3A_625 = arith.constant 8589 : i32
        %parallel_loop3A_626 = vector.broadcast %parallel_loop3A_625 : i32 to vector<16xi32>
        %parallel_loop3A_627 = arith.muli %parallel_loop3A_623, %parallel_loop3A_626 : vector<16xi32>
        %parallel_loop3A_628 = arith.constant 17 : i32
        %parallel_loop3A_629 = vector.broadcast %parallel_loop3A_628 : i32 to vector<16xi32>
        %parallel_loop3A_630 = arith.shrui %parallel_loop3A_627, %parallel_loop3A_629 : vector<16xi32>
        %parallel_loop3A_631 = arith.constant 999999 : i32
        %parallel_loop3A_632 = vector.broadcast %parallel_loop3A_631 : i32 to vector<16xi32>
        %parallel_loop3A_633 = arith.muli %parallel_loop3A_630, %parallel_loop3A_632 : vector<16xi32>
        %parallel_loop3A_634 = arith.subi %parallel_loop3A_624, %parallel_loop3A_633 : vector<16xi32>
        %parallel_loop3A_635 = arith.constant 999999 : i32
        %parallel_loop3A_636 = vector.broadcast %parallel_loop3A_635 : i32 to vector<16xi32>
        %parallel_loop3A_637 = arith.cmpi sge, %parallel_loop3A_634, %parallel_loop3A_636 : vector<16xi32>
        %parallel_loop3A_638 = arith.constant 999999 : i32
        %parallel_loop3A_639 = vector.broadcast %parallel_loop3A_638 : i32 to vector<16xi32>
        %parallel_loop3A_640 = arith.subi %parallel_loop3A_634, %parallel_loop3A_639 : vector<16xi32>
        %parallel_loop3A_641 = arith.select %parallel_loop3A_637, %parallel_loop3A_640, %parallel_loop3A_634 : vector<16xi1>, vector<16xi32>
        %parallel_loop3A_642 = arith.constant 0 : i32
        %parallel_loop3A_643 = vector.broadcast %parallel_loop3A_642 : i32 to vector<16xi32>
        %parallel_loop3A_644 = arith.cmpi ne, %parallel_loop3A_606, %parallel_loop3A_643 : vector<16xi32>
        %parallel_loop3A_645 = arith.constant 1 : i32
        %parallel_loop3A_646 = vector.broadcast %parallel_loop3A_645 : i32 to vector<16xi32>
        %parallel_loop3A_647 = arith.addi %parallel_loop3A_641, %parallel_loop3A_646 : vector<16xi32>
        %parallel_loop3A_648 = arith.constant 0 : i32
        %parallel_loop3A_649 = vector.broadcast %parallel_loop3A_648 : i32 to vector<16xi32>
        %parallel_loop3A_650 = arith.select %parallel_loop3A_644, %parallel_loop3A_647, %parallel_loop3A_649 : vector<16xi1>, vector<16xi32>
        %parallel_loop3A_651 = arith.index_cast %rem3A_61 : i32 to index
        %parallel_loop3A_652 = arith.index_cast %parallel_loop3A_106 : i32 to index
        %parallel_loop3A_653 = arith.constant 144 : index
        %parallel_loop3A_654 = tpu.vector_load %arg5[%parallel_loop3A_651, %parallel_loop3A_652, %parallel_loop3A_653] {strides = array<i32>} : memref<2x64x200xi32, #tpu.memory_space<vmem>>, vector<1x1x16xi32>,
        %parallel_loop3A_655 = vector.shape_cast %parallel_loop3A_654 : vector<1x1x16xi32> to vector<16xi32>
        %parallel_loop3A_656 = vector.shape_cast %parallel_loop3A_650 : vector<16xi32> to vector<1x1x16xi32>
        tpu.vector_store %arg5[%parallel_loop3A_651, %parallel_loop3A_652, %parallel_loop3A_653], %parallel_loop3A_656 {strides = array<i32>} : memref<2x64x200xi32, #tpu.memory_space<vmem>>, vector<1x1x16xi32>,
        %parallel_loop3A_657 = arith.index_cast %rem3A_61 : i32 to index
        %parallel_loop3A_658 = arith.index_cast %parallel_loop3A_106 : i32 to index
        %parallel_loop3A_659 = arith.constant 160 : index
        %parallel_loop3A_660 = tpu.vector_load %arg4[%parallel_loop3A_657, %parallel_loop3A_658, %parallel_loop3A_659] {strides = array<i32>} : memref<2x64x200xi32, #tpu.memory_space<vmem>>, vector<1x1x16xi32>,
        %parallel_loop3A_661 = vector.shape_cast %parallel_loop3A_660 : vector<1x1x16xi32> to vector<16xi32>
        %parallel_loop3A_662 = arith.constant 16 : i32
        %parallel_loop3A_663 = vector.broadcast %parallel_loop3A_662 : i32 to vector<16xi32>
        %parallel_loop3A_664 = arith.shrui %parallel_loop3A_661, %parallel_loop3A_663 : vector<16xi32>
        %parallel_loop3A_665 = arith.xori %parallel_loop3A_661, %parallel_loop3A_664 : vector<16xi32>
        %parallel_loop3A_666 = arith.constant 73244475 : i32
        %parallel_loop3A_667 = vector.broadcast %parallel_loop3A_666 : i32 to vector<16xi32>
        %parallel_loop3A_668 = arith.muli %parallel_loop3A_665, %parallel_loop3A_667 : vector<16xi32>
        %parallel_loop3A_669 = arith.constant 16 : i32
        %parallel_loop3A_670 = vector.broadcast %parallel_loop3A_669 : i32 to vector<16xi32>
        %parallel_loop3A_671 = arith.shrui %parallel_loop3A_668, %parallel_loop3A_670 : vector<16xi32>
        %parallel_loop3A_672 = arith.xori %parallel_loop3A_668, %parallel_loop3A_671 : vector<16xi32>
        %parallel_loop3A_673 = arith.constant 73244475 : i32
        %parallel_loop3A_674 = vector.broadcast %parallel_loop3A_673 : i32 to vector<16xi32>
        %parallel_loop3A_675 = arith.muli %parallel_loop3A_672, %parallel_loop3A_674 : vector<16xi32>
        %parallel_loop3A_676 = arith.constant 16 : i32
        %parallel_loop3A_677 = vector.broadcast %parallel_loop3A_676 : i32 to vector<16xi32>
        %parallel_loop3A_678 = arith.shrui %parallel_loop3A_675, %parallel_loop3A_677 : vector<16xi32>
        %parallel_loop3A_679 = arith.xori %parallel_loop3A_675, %parallel_loop3A_678 : vector<16xi32>
        %parallel_loop3A_680 = arith.constant 8589 : i32
        %parallel_loop3A_681 = vector.broadcast %parallel_loop3A_680 : i32 to vector<16xi32>
        %parallel_loop3A_682 = arith.muli %parallel_loop3A_678, %parallel_loop3A_681 : vector<16xi32>
        %parallel_loop3A_683 = arith.constant 17 : i32
        %parallel_loop3A_684 = vector.broadcast %parallel_loop3A_683 : i32 to vector<16xi32>
        %parallel_loop3A_685 = arith.shrui %parallel_loop3A_682, %parallel_loop3A_684 : vector<16xi32>
        %parallel_loop3A_686 = arith.constant 999999 : i32
        %parallel_loop3A_687 = vector.broadcast %parallel_loop3A_686 : i32 to vector<16xi32>
        %parallel_loop3A_688 = arith.muli %parallel_loop3A_685, %parallel_loop3A_687 : vector<16xi32>
        %parallel_loop3A_689 = arith.subi %parallel_loop3A_679, %parallel_loop3A_688 : vector<16xi32>
        %parallel_loop3A_690 = arith.constant 999999 : i32
        %parallel_loop3A_691 = vector.broadcast %parallel_loop3A_690 : i32 to vector<16xi32>
        %parallel_loop3A_692 = arith.cmpi sge, %parallel_loop3A_689, %parallel_loop3A_691 : vector<16xi32>
        %parallel_loop3A_693 = arith.constant 999999 : i32
        %parallel_loop3A_694 = vector.broadcast %parallel_loop3A_693 : i32 to vector<16xi32>
        %parallel_loop3A_695 = arith.subi %parallel_loop3A_689, %parallel_loop3A_694 : vector<16xi32>
        %parallel_loop3A_696 = arith.select %parallel_loop3A_692, %parallel_loop3A_695, %parallel_loop3A_689 : vector<16xi1>, vector<16xi32>
        %parallel_loop3A_697 = arith.constant 0 : i32
        %parallel_loop3A_698 = vector.broadcast %parallel_loop3A_697 : i32 to vector<16xi32>
        %parallel_loop3A_699 = arith.cmpi ne, %parallel_loop3A_661, %parallel_loop3A_698 : vector<16xi32>
        %parallel_loop3A_700 = arith.constant 1 : i32
        %parallel_loop3A_701 = vector.broadcast %parallel_loop3A_700 : i32 to vector<16xi32>
        %parallel_loop3A_702 = arith.addi %parallel_loop3A_696, %parallel_loop3A_701 : vector<16xi32>
        %parallel_loop3A_703 = arith.constant 0 : i32
        %parallel_loop3A_704 = vector.broadcast %parallel_loop3A_703 : i32 to vector<16xi32>
        %parallel_loop3A_705 = arith.select %parallel_loop3A_699, %parallel_loop3A_702, %parallel_loop3A_704 : vector<16xi1>, vector<16xi32>
        %parallel_loop3A_706 = arith.index_cast %rem3A_61 : i32 to index
        %parallel_loop3A_707 = arith.index_cast %parallel_loop3A_106 : i32 to index
        %parallel_loop3A_708 = arith.constant 160 : index
        %parallel_loop3A_709 = tpu.vector_load %arg5[%parallel_loop3A_706, %parallel_loop3A_707, %parallel_loop3A_708] {strides = array<i32>} : memref<2x64x200xi32, #tpu.memory_space<vmem>>, vector<1x1x16xi32>,
        %parallel_loop3A_710 = vector.shape_cast %parallel_loop3A_709 : vector<1x1x16xi32> to vector<16xi32>
        %parallel_loop3A_711 = vector.shape_cast %parallel_loop3A_705 : vector<16xi32> to vector<1x1x16xi32>
        tpu.vector_store %arg5[%parallel_loop3A_706, %parallel_loop3A_707, %parallel_loop3A_708], %parallel_loop3A_711 {strides = array<i32>} : memref<2x64x200xi32, #tpu.memory_space<vmem>>, vector<1x1x16xi32>,
        %parallel_loop3A_712 = arith.index_cast %rem3A_61 : i32 to index
        %parallel_loop3A_713 = arith.index_cast %parallel_loop3A_106 : i32 to index
        %parallel_loop3A_714 = arith.constant 176 : index
        %parallel_loop3A_715 = tpu.vector_load %arg4[%parallel_loop3A_712, %parallel_loop3A_713, %parallel_loop3A_714] {strides = array<i32>} : memref<2x64x200xi32, #tpu.memory_space<vmem>>, vector<1x1x16xi32>,
        %parallel_loop3A_716 = vector.shape_cast %parallel_loop3A_715 : vector<1x1x16xi32> to vector<16xi32>
        %parallel_loop3A_717 = arith.constant 16 : i32
        %parallel_loop3A_718 = vector.broadcast %parallel_loop3A_717 : i32 to vector<16xi32>
        %parallel_loop3A_719 = arith.shrui %parallel_loop3A_716, %parallel_loop3A_718 : vector<16xi32>
        %parallel_loop3A_720 = arith.xori %parallel_loop3A_716, %parallel_loop3A_719 : vector<16xi32>
        %parallel_loop3A_721 = arith.constant 73244475 : i32
        %parallel_loop3A_722 = vector.broadcast %parallel_loop3A_721 : i32 to vector<16xi32>
        %parallel_loop3A_723 = arith.muli %parallel_loop3A_720, %parallel_loop3A_722 : vector<16xi32>
        %parallel_loop3A_724 = arith.constant 16 : i32
        %parallel_loop3A_725 = vector.broadcast %parallel_loop3A_724 : i32 to vector<16xi32>
        %parallel_loop3A_726 = arith.shrui %parallel_loop3A_723, %parallel_loop3A_725 : vector<16xi32>
        %parallel_loop3A_727 = arith.xori %parallel_loop3A_723, %parallel_loop3A_726 : vector<16xi32>
        %parallel_loop3A_728 = arith.constant 73244475 : i32
        %parallel_loop3A_729 = vector.broadcast %parallel_loop3A_728 : i32 to vector<16xi32>
        %parallel_loop3A_730 = arith.muli %parallel_loop3A_727, %parallel_loop3A_729 : vector<16xi32>
        %parallel_loop3A_731 = arith.constant 16 : i32
        %parallel_loop3A_732 = vector.broadcast %parallel_loop3A_731 : i32 to vector<16xi32>
        %parallel_loop3A_733 = arith.shrui %parallel_loop3A_730, %parallel_loop3A_732 : vector<16xi32>
        %parallel_loop3A_734 = arith.xori %parallel_loop3A_730, %parallel_loop3A_733 : vector<16xi32>
        %parallel_loop3A_735 = arith.constant 8589 : i32
        %parallel_loop3A_736 = vector.broadcast %parallel_loop3A_735 : i32 to vector<16xi32>
        %parallel_loop3A_737 = arith.muli %parallel_loop3A_733, %parallel_loop3A_736 : vector<16xi32>
        %parallel_loop3A_738 = arith.constant 17 : i32
        %parallel_loop3A_739 = vector.broadcast %parallel_loop3A_738 : i32 to vector<16xi32>
        %parallel_loop3A_740 = arith.shrui %parallel_loop3A_737, %parallel_loop3A_739 : vector<16xi32>
        %parallel_loop3A_741 = arith.constant 999999 : i32
        %parallel_loop3A_742 = vector.broadcast %parallel_loop3A_741 : i32 to vector<16xi32>
        %parallel_loop3A_743 = arith.muli %parallel_loop3A_740, %parallel_loop3A_742 : vector<16xi32>
        %parallel_loop3A_744 = arith.subi %parallel_loop3A_734, %parallel_loop3A_743 : vector<16xi32>
        %parallel_loop3A_745 = arith.constant 999999 : i32
        %parallel_loop3A_746 = vector.broadcast %parallel_loop3A_745 : i32 to vector<16xi32>
        %parallel_loop3A_747 = arith.cmpi sge, %parallel_loop3A_744, %parallel_loop3A_746 : vector<16xi32>
        %parallel_loop3A_748 = arith.constant 999999 : i32
        %parallel_loop3A_749 = vector.broadcast %parallel_loop3A_748 : i32 to vector<16xi32>
        %parallel_loop3A_750 = arith.subi %parallel_loop3A_744, %parallel_loop3A_749 : vector<16xi32>
        %parallel_loop3A_751 = arith.select %parallel_loop3A_747, %parallel_loop3A_750, %parallel_loop3A_744 : vector<16xi1>, vector<16xi32>
        %parallel_loop3A_752 = arith.constant 0 : i32
        %parallel_loop3A_753 = vector.broadcast %parallel_loop3A_752 : i32 to vector<16xi32>
        %parallel_loop3A_754 = arith.cmpi ne, %parallel_loop3A_716, %parallel_loop3A_753 : vector<16xi32>
        %parallel_loop3A_755 = arith.constant 1 : i32
        %parallel_loop3A_756 = vector.broadcast %parallel_loop3A_755 : i32 to vector<16xi32>
        %parallel_loop3A_757 = arith.addi %parallel_loop3A_751, %parallel_loop3A_756 : vector<16xi32>
        %parallel_loop3A_758 = arith.constant 0 : i32
        %parallel_loop3A_759 = vector.broadcast %parallel_loop3A_758 : i32 to vector<16xi32>
        %parallel_loop3A_760 = arith.select %parallel_loop3A_754, %parallel_loop3A_757, %parallel_loop3A_759 : vector<16xi1>, vector<16xi32>
        %parallel_loop3A_761 = arith.index_cast %rem3A_61 : i32 to index
        %parallel_loop3A_762 = arith.index_cast %parallel_loop3A_106 : i32 to index
        %parallel_loop3A_763 = arith.constant 176 : index
        %parallel_loop3A_764 = tpu.vector_load %arg5[%parallel_loop3A_761, %parallel_loop3A_762, %parallel_loop3A_763] {strides = array<i32>} : memref<2x64x200xi32, #tpu.memory_space<vmem>>, vector<1x1x16xi32>,
        %parallel_loop3A_765 = vector.shape_cast %parallel_loop3A_764 : vector<1x1x16xi32> to vector<16xi32>
        %parallel_loop3A_766 = vector.shape_cast %parallel_loop3A_760 : vector<16xi32> to vector<1x1x16xi32>
        tpu.vector_store %arg5[%parallel_loop3A_761, %parallel_loop3A_762, %parallel_loop3A_763], %parallel_loop3A_766 {strides = array<i32>} : memref<2x64x200xi32, #tpu.memory_space<vmem>>, vector<1x1x16xi32>,
        %parallel_loop3A_767 = arith.index_cast %rem3A_61 : i32 to index
        %parallel_loop3A_768 = arith.index_cast %parallel_loop3A_106 : i32 to index
        %parallel_loop3A_769 = arith.constant 184 : index
        %parallel_loop3A_770 = tpu.vector_load %arg4[%parallel_loop3A_767, %parallel_loop3A_768, %parallel_loop3A_769] {strides = array<i32>} : memref<2x64x200xi32, #tpu.memory_space<vmem>>, vector<1x1x16xi32>,
        %parallel_loop3A_771 = vector.shape_cast %parallel_loop3A_770 : vector<1x1x16xi32> to vector<16xi32>
        %parallel_loop3A_772 = arith.constant 16 : i32
        %parallel_loop3A_773 = vector.broadcast %parallel_loop3A_772 : i32 to vector<16xi32>
        %parallel_loop3A_774 = arith.shrui %parallel_loop3A_771, %parallel_loop3A_773 : vector<16xi32>
        %parallel_loop3A_775 = arith.xori %parallel_loop3A_771, %parallel_loop3A_774 : vector<16xi32>
        %parallel_loop3A_776 = arith.constant 73244475 : i32
        %parallel_loop3A_777 = vector.broadcast %parallel_loop3A_776 : i32 to vector<16xi32>
        %parallel_loop3A_778 = arith.muli %parallel_loop3A_775, %parallel_loop3A_777 : vector<16xi32>
        %parallel_loop3A_779 = arith.constant 16 : i32
        %parallel_loop3A_780 = vector.broadcast %parallel_loop3A_779 : i32 to vector<16xi32>
        %parallel_loop3A_781 = arith.shrui %parallel_loop3A_778, %parallel_loop3A_780 : vector<16xi32>
        %parallel_loop3A_782 = arith.xori %parallel_loop3A_778, %parallel_loop3A_781 : vector<16xi32>
        %parallel_loop3A_783 = arith.constant 73244475 : i32
        %parallel_loop3A_784 = vector.broadcast %parallel_loop3A_783 : i32 to vector<16xi32>
        %parallel_loop3A_785 = arith.muli %parallel_loop3A_782, %parallel_loop3A_784 : vector<16xi32>
        %parallel_loop3A_786 = arith.constant 16 : i32
        %parallel_loop3A_787 = vector.broadcast %parallel_loop3A_786 : i32 to vector<16xi32>
        %parallel_loop3A_788 = arith.shrui %parallel_loop3A_785, %parallel_loop3A_787 : vector<16xi32>
        %parallel_loop3A_789 = arith.xori %parallel_loop3A_785, %parallel_loop3A_788 : vector<16xi32>
        %parallel_loop3A_790 = arith.constant 8589 : i32
        %parallel_loop3A_791 = vector.broadcast %parallel_loop3A_790 : i32 to vector<16xi32>
        %parallel_loop3A_792 = arith.muli %parallel_loop3A_788, %parallel_loop3A_791 : vector<16xi32>
        %parallel_loop3A_793 = arith.constant 17 : i32
        %parallel_loop3A_794 = vector.broadcast %parallel_loop3A_793 : i32 to vector<16xi32>
        %parallel_loop3A_795 = arith.shrui %parallel_loop3A_792, %parallel_loop3A_794 : vector<16xi32>
        %parallel_loop3A_796 = arith.constant 999999 : i32
        %parallel_loop3A_797 = vector.broadcast %parallel_loop3A_796 : i32 to vector<16xi32>
        %parallel_loop3A_798 = arith.muli %parallel_loop3A_795, %parallel_loop3A_797 : vector<16xi32>
        %parallel_loop3A_799 = arith.subi %parallel_loop3A_789, %parallel_loop3A_798 : vector<16xi32>
        %parallel_loop3A_800 = arith.constant 999999 : i32
        %parallel_loop3A_801 = vector.broadcast %parallel_loop3A_800 : i32 to vector<16xi32>
        %parallel_loop3A_802 = arith.cmpi sge, %parallel_loop3A_799, %parallel_loop3A_801 : vector<16xi32>
        %parallel_loop3A_803 = arith.constant 999999 : i32
        %parallel_loop3A_804 = vector.broadcast %parallel_loop3A_803 : i32 to vector<16xi32>
        %parallel_loop3A_805 = arith.subi %parallel_loop3A_799, %parallel_loop3A_804 : vector<16xi32>
        %parallel_loop3A_806 = arith.select %parallel_loop3A_802, %parallel_loop3A_805, %parallel_loop3A_799 : vector<16xi1>, vector<16xi32>
        %parallel_loop3A_807 = arith.constant 0 : i32
        %parallel_loop3A_808 = vector.broadcast %parallel_loop3A_807 : i32 to vector<16xi32>
        %parallel_loop3A_809 = arith.cmpi ne, %parallel_loop3A_771, %parallel_loop3A_808 : vector<16xi32>
        %parallel_loop3A_810 = arith.constant 1 : i32
        %parallel_loop3A_811 = vector.broadcast %parallel_loop3A_810 : i32 to vector<16xi32>
        %parallel_loop3A_812 = arith.addi %parallel_loop3A_806, %parallel_loop3A_811 : vector<16xi32>
        %parallel_loop3A_813 = arith.constant 0 : i32
        %parallel_loop3A_814 = vector.broadcast %parallel_loop3A_813 : i32 to vector<16xi32>
        %parallel_loop3A_815 = arith.select %parallel_loop3A_809, %parallel_loop3A_812, %parallel_loop3A_814 : vector<16xi1>, vector<16xi32>
        %parallel_loop3A_816 = arith.index_cast %rem3A_61 : i32 to index
        %parallel_loop3A_817 = arith.index_cast %parallel_loop3A_106 : i32 to index
        %parallel_loop3A_818 = arith.constant 184 : index
        %parallel_loop3A_819 = tpu.vector_load %arg5[%parallel_loop3A_816, %parallel_loop3A_817, %parallel_loop3A_818] {strides = array<i32>} : memref<2x64x200xi32, #tpu.memory_space<vmem>>, vector<1x1x16xi32>,
        %parallel_loop3A_820 = vector.shape_cast %parallel_loop3A_819 : vector<1x1x16xi32> to vector<16xi32>
        %parallel_loop3A_821 = vector.shape_cast %parallel_loop3A_815 : vector<16xi32> to vector<1x1x16xi32>
        tpu.vector_store %arg5[%parallel_loop3A_816, %parallel_loop3A_817, %parallel_loop3A_818], %parallel_loop3A_821 {strides = array<i32>} : memref<2x64x200xi32, #tpu.memory_space<vmem>>, vector<1x1x16xi32>,
      } {sc.loop_unroll_factor = 1 : i64, sc.parallel_access}
      %mul3A_89 = arith.constant 64 : i32
      %mul3A_90 = arith.muli %scan3A_60, %mul3A_89 : i32
      %add3A_91 = arith.addi %mul3A_2, %mul3A_90 : i32
      %dma_start3A_92 = arith.constant 0 : i32
      %dma_start3A_93 = arith.constant 0 : i32
      %dma_start3A_94 = tpu.memref_slice %arg5[%rem3A_61, %dma_start3A_92, %dma_start3A_93] : memref<2x64x200xi32, #tpu.memory_space<vmem>> -> memref<1x64x200xi32, #tpu.memory_space<vmem>>
      %dma_start3A_95 = tpu.memref_squeeze %dma_start3A_94 : memref<1x64x200xi32, #tpu.memory_space<vmem>> -> memref<64x200xi32, #tpu.memory_space<vmem>>
      %dma_start3A_96 = arith.constant 0 : i32
      %dma_start3A_97 = tpu.memref_slice %arg3[%add3A_91, %dma_start3A_96] : memref<16384x200xi32, #tpu.memory_space<hbm>> -> memref<64x200xi32, #tpu.memory_space<hbm>>
      %dma_start3A_98 = tpu.memref_slice %arg7[%rem3A_61] : memref<2x!tpu.dma_semaphore, #tpu.memory_space<semaphore_mem>> -> memref<1x!tpu.dma_semaphore, #tpu.memory_space<semaphore_mem>>
      %dma_start3A_99 = tpu.memref_squeeze %dma_start3A_98 : memref<1x!tpu.dma_semaphore, #tpu.memory_space<semaphore_mem>> -> memref<!tpu.dma_semaphore, #tpu.memory_space<semaphore_mem>>
      %dma_start3A_100 = arith.constant 0 : i32
      %dma_start3A_101 = tpu.memref_slice %arg3[%add3A_91, %dma_start3A_100] : memref<16384x200xi32, #tpu.memory_space<hbm>> -> memref<64x200xi32, #tpu.memory_space<hbm>>
      %dma_start3A_102 = arith.constant 0 : i32
      %dma_start3A_103 = arith.constant 0 : i32
      %dma_start3A_104 = tpu.memref_slice %arg5[%rem3A_61, %dma_start3A_102, %dma_start3A_103] : memref<2x64x200xi32, #tpu.memory_space<vmem>> -> memref<1x64x200xi32, #tpu.memory_space<vmem>>
      %dma_start3A_105 = tpu.memref_squeeze %dma_start3A_104 : memref<1x64x200xi32, #tpu.memory_space<vmem>> -> memref<64x200xi32, #tpu.memory_space<vmem>>
      tpu.enqueue_dma source(%dma_start3A_105 : memref<64x200xi32, #tpu.memory_space<vmem>>) target(%dma_start3A_101 : memref<64x200xi32, #tpu.memory_space<hbm>>) target_semaphore(%dma_start3A_99 : memref<!tpu.dma_semaphore, #tpu.memory_space<semaphore_mem>>)
    }
    %scan3A_24 = arith.constant 8 : i32
    %add3A_25 = arith.constant 384 : i32
    %add3A_26 = arith.addi %mul3A_2, %add3A_25 : i32
    %dma_wait3A = arith.constant 0 : i32
    %dma_wait3A_27 = arith.constant 0 : i32
    %dma_wait3A_28 = arith.constant 0 : i32
    %dma_wait3A_29 = arith.constant 0 : i32
    %dma_wait3A_30 = tpu.memref_slice %arg5[%dma_wait3A, %dma_wait3A_28, %dma_wait3A_29] : memref<2x64x200xi32, #tpu.memory_space<vmem>> -> memref<1x64x200xi32, #tpu.memory_space<vmem>>
    %dma_wait3A_31 = tpu.memref_squeeze %dma_wait3A_30 : memref<1x64x200xi32, #tpu.memory_space<vmem>> -> memref<64x200xi32, #tpu.memory_space<vmem>>
    %dma_wait3A_32 = arith.constant 0 : i32
    %dma_wait3A_33 = tpu.memref_slice %arg3[%add3A_26, %dma_wait3A_32] : memref<16384x200xi32, #tpu.memory_space<hbm>> -> memref<64x200xi32, #tpu.memory_space<hbm>>
    %dma_wait3A_34 = tpu.memref_slice %arg7[%dma_wait3A_27] : memref<2x!tpu.dma_semaphore, #tpu.memory_space<semaphore_mem>> -> memref<1x!tpu.dma_semaphore, #tpu.memory_space<semaphore_mem>>
    %dma_wait3A_35 = tpu.memref_squeeze %dma_wait3A_34 : memref<1x!tpu.dma_semaphore, #tpu.memory_space<semaphore_mem>> -> memref<!tpu.dma_semaphore, #tpu.memory_space<semaphore_mem>>
    %dma_wait3A_36 = arith.constant 0 : i32
    %dma_wait3A_37 = tpu.memref_slice %arg3[%add3A_26, %dma_wait3A_36] : memref<16384x200xi32, #tpu.memory_space<hbm>> -> memref<64x200xi32, #tpu.memory_space<hbm>>
    %dma_wait3A_38 = arith.constant 0 : i32
    %dma_wait3A_39 = arith.constant 0 : i32
    %dma_wait3A_40 = tpu.memref_slice %arg5[%dma_wait3A, %dma_wait3A_38, %dma_wait3A_39] : memref<2x64x200xi32, #tpu.memory_space<vmem>> -> memref<1x64x200xi32, #tpu.memory_space<vmem>>
    %dma_wait3A_41 = tpu.memref_squeeze %dma_wait3A_40 : memref<1x64x200xi32, #tpu.memory_space<vmem>> -> memref<64x200xi32, #tpu.memory_space<vmem>>
    tpu.wait_dma2 semaphore(%dma_wait3A_35 : memref<!tpu.dma_semaphore, #tpu.memory_space<semaphore_mem>>) src(%dma_wait3A_41 : memref<64x200xi32, #tpu.memory_space<vmem>>) dst(%dma_wait3A_37 : memref<64x200xi32, #tpu.memory_space<hbm>>)
    %add3A_42 = arith.constant 448 : i32
    %add3A_43 = arith.addi %mul3A_2, %add3A_42 : i32
    %dma_wait3A_44 = arith.constant 1 : i32
    %dma_wait3A_45 = arith.constant 1 : i32
    %dma_wait3A_46 = arith.constant 0 : i32
    %dma_wait3A_47 = arith.constant 0 : i32
    %dma_wait3A_48 = tpu.memref_slice %arg5[%dma_wait3A_44, %dma_wait3A_46, %dma_wait3A_47] : memref<2x64x200xi32, #tpu.memory_space<vmem>> -> memref<1x64x200xi32, #tpu.memory_space<vmem>>
    %dma_wait3A_49 = tpu.memref_squeeze %dma_wait3A_48 : memref<1x64x200xi32, #tpu.memory_space<vmem>> -> memref<64x200xi32, #tpu.memory_space<vmem>>
    %dma_wait3A_50 = arith.constant 0 : i32
    %dma_wait3A_51 = tpu.memref_slice %arg3[%add3A_43, %dma_wait3A_50] : memref<16384x200xi32, #tpu.memory_space<hbm>> -> memref<64x200xi32, #tpu.memory_space<hbm>>
    %dma_wait3A_52 = tpu.memref_slice %arg7[%dma_wait3A_45] : memref<2x!tpu.dma_semaphore, #tpu.memory_space<semaphore_mem>> -> memref<1x!tpu.dma_semaphore, #tpu.memory_space<semaphore_mem>>
    %dma_wait3A_53 = tpu.memref_squeeze %dma_wait3A_52 : memref<1x!tpu.dma_semaphore, #tpu.memory_space<semaphore_mem>> -> memref<!tpu.dma_semaphore, #tpu.memory_space<semaphore_mem>>
    %dma_wait3A_54 = arith.constant 0 : i32
    %dma_wait3A_55 = tpu.memref_slice %arg3[%add3A_43, %dma_wait3A_54] : memref<16384x200xi32, #tpu.memory_space<hbm>> -> memref<64x200xi32, #tpu.memory_space<hbm>>
    %dma_wait3A_56 = arith.constant 0 : i32
    %dma_wait3A_57 = arith.constant 0 : i32
    %dma_wait3A_58 = tpu.memref_slice %arg5[%dma_wait3A_44, %dma_wait3A_56, %dma_wait3A_57] : memref<2x64x200xi32, #tpu.memory_space<vmem>> -> memref<1x64x200xi32, #tpu.memory_space<vmem>>
    %dma_wait3A_59 = tpu.memref_squeeze %dma_wait3A_58 : memref<1x64x200xi32, #tpu.memory_space<vmem>> -> memref<64x200xi32, #tpu.memory_space<vmem>>
    tpu.wait_dma2 semaphore(%dma_wait3A_53 : memref<!tpu.dma_semaphore, #tpu.memory_space<semaphore_mem>>) src(%dma_wait3A_59 : memref<64x200xi32, #tpu.memory_space<vmem>>) dst(%dma_wait3A_55 : memref<64x200xi32, #tpu.memory_space<hbm>>)
    return
  }
}

</mosaic_0001>

<sc_bundles>
// kernel: kernel.3.cloned.1.call-start
scs
__scs_entry_jumppad:
0x0: {  	(pc) =	sbr.rel $0x88, $3  }
0x1: {  	(tag) =	ssettag $0x0;
	lr =	simm.s32 $0x1  }
0x2: {  	[smem:$0x3FA0] =	sst lr;
	_ =	strace $0xD0000000  }
0x3: {  	_ = 	snop  }
0x4: {  	_ = 	snop  }
0x5: {  	_ = 	snop  }
0x6: {  	_ = 	snop  }
0x7: {  	_ = 	snop  }
__scs_overlays_trampoline_lowered:
0x8: {  	[smem:$0x3FAF] =	sst s0  }
0x9: {  	[smem:$0x3FB0] =	sst s1  }
0xa: {  	[smem:$0x3FB1] =	sst s2  }
0xb: {  	[smem:$0x3FB2] =	sst s3  }
0xc: {  	[smem:$0x3FB3] =	sst s4  }
0xd: {  	[smem:$0x3FB4] =	sst s5  }
0xe: {  	[smem:$0x3FB5] =	sst s6  }
0xf: {  	[smem:$0x3FB6] =	sst s7  }
0x10: {  	[smem:$0x3FB7] =	sst s8  }
0x11: {  	[smem:$0x3FB8] =	sst s9;
	s0 =	simm.s32 @!p0 $0x0  }
0x12: {  	s1 =	sld [smem:$0x3F9E];
	s0 =	simm.s32 @p0 $0x1  }
0x13: {  	[smem:$0x3FB9] =	sst s0;
	s0 =	simm.s32 @!p1 $0x0  }
0x14: {  	s2 =	sld [smem:$0x3F9D];
	s0 =	simm.s32 @p1 $0x1  }
0x15: {  	[smem:$0x3FBA] =	sst s0;
	s0 =	simm.s32 @!p2 $0x0  }
0x16: {  	s3 =	sld [smem:$0x3FDB];
	s0 =	simm.s32 @p2 $0x1  }
0x17: {  	s4 =	simm.s32 $0x1BF5;
	[smem:$0x3FBC] =	sst s0  }
0x18: {  	s0 =	sld [smem:$0x3F9F];
	_ =	swait.ge [sflag:s4], $0x0  }
0x19: {  	s7 =	sld [smem:$0x3FA0]  }
0x1a: {  	s8 =	sadd.s32 $0xFFFFE003, lr  }
0x1b: {  	s9 =	sadd.s32 $0xFFFFFEF7, lr;
	s5 =	simm.s32 $0xFFFFFFFF;
	p2 =	slt.u32 s8, $0xFFFFF086  }
0x1c: {  	p1 =	slt.u32 s9, $0xF7A;
	s5 =	simm.s32 @!p2 $0x0  }
0x1d: {  	s5 =	simm.s32 @p1 $0x1;
	p0 =	seq.s32 s7, s2  }
0x1e: {  	s7 =	smul.u32 @!p0 $0xF7A, s2;
	p2 =	seq.s32 @!p0 s5, $0x0  }
0x1f: {  	s9 =	smul.u32 $0xF7A, s1;
	s8 =	simm.s32 @!p0 $0x1BF5;
	p2 =	por !p2, p0  }
0x20: {  	[sflag:s8] =	ssyncset.s32 @!p0 $0xFFFFF086;
	s6 =	sadd.s32 @!p0 s3, s7;
	s7 =	simm.s32 @!p0 $0x108  }
0x21: {  	s3 =	sadd.s32 s3, s9;
	s6 =	sadd.s32 @!p0 $0x88, s6;
	s7 =	simm.s32 @p2 $0x1082  }
0x22: {  	[simem:s7], [sflag:s8] =	dma.local @!p0 [hbm:s6], $0xF7A  }
0x23: {  	s9 =	sor.u32 $0xD0000000, s2;
	s6 =	simm.s32 $0x108;
	_ =	swait.ge @!p0 [sflag:s8], $0x0  }
0x24: {  	s3 =	sadd.s32 $0x88, s3;
	s6 =	simm.s32 @!p1 $0x1082;
	[sflag:s4] =	ssyncset.s32 $0xFFFFF086  }
0x25: {  	[simem:s6], [sflag:s4] =	dma.local [hbm:s3], $0xF7A  }
0x26: {  	[smem:$0x3FA0] =	sst s1;
	(tag) =	ssettag s2;
	_ =	strace s9  }
0x27: {  	s1 =	sld [smem:$0x3FB0]  }
0x28: {  	s2 =	sld [smem:$0x3FB1]  }
0x29: {  	s4 =	sld [smem:$0x3FB3]  }
0x2a: {  	p0 =	seq.s32 s5, $0x0;
	s5 =	sld [smem:$0x3FB4]  }
0x2b: {  	s6 =	sld [smem:$0x3FB5]  }
0x2c: {  	s7 =	sld [smem:$0x3FB6]  }
0x2d: {  	s3 =	simm.s32 $0x108;
	s8 =	sld [smem:$0x3FB7]  }
0x2e: {  	s3 =	simm.s32 @!p0 $0x1082;
	s9 =	sld [smem:$0x3FB8]  }
0x2f: {  	lr =	sadd.s32 s0, s3;
	s0 =	sld [smem:$0x3FAF]  }
0x30: {  	s3 =	sld [smem:$0x3FB2]  }
0x31: {  	[smem:$0x3FBB] =	sst s10  }
0x32: {  	s10 =	sld [smem:$0x3FB9];
	_ =	sdelay $0x3  }
0x33: {  	p0 =	seq.s32 s10, $0x1;
	s10 =	sld [smem:$0x3FBB];
	_ =	sdelay $0x3  }
0x34: {  	[smem:$0x3FBB] =	sst s10  }
0x35: {  	s10 =	sld [smem:$0x3FBA];
	_ =	sdelay $0x3  }
0x36: {  	p1 =	seq.s32 s10, $0x1;
	s10 =	sld [smem:$0x3FBB];
	_ =	sdelay $0x3  }
0x37: {  	[smem:$0x3FBB] =	sst s10  }
0x38: {  	s10 =	sld [smem:$0x3FBC]  }
0x39: {  	_ = 	snop;
	(pc) =	sbr.ind lr, $3  }
0x3a: {  	_ = 	snop  }
0x3b: {  	_ = 	snop  }
0x3c: {  	p2 =	seq.s32 s10, $0x1;
	s10 =	sld [smem:$0x3FBB]  }
0x3d: {  	_ =	shalt  }
0x3e: {  	_ =	shalt  }
0x3f: {  	_ =	shalt  }
0x40: {  	_ =	shalt  }
0x41: {  	_ =	shalt  }
0x42: {  	_ =	shalt  }
0x43: {  	_ =	shalt  }
0x44: {  	_ =	shalt  }
0x45: {  	_ =	shalt  }
0x46: {  	_ =	shalt  }
0x47: {  	_ =	shalt  }
0x48: {  	_ =	shalt  }
0x49: {  	_ =	shalt  }
0x4a: {  	_ =	shalt  }
0x4b: {  	_ =	shalt  }
0x4c: {  	_ =	shalt  }
0x4d: {  	_ =	shalt  }
0x4e: {  	_ =	shalt  }
0x4f: {  	_ =	shalt  }
0x50: {  	_ =	shalt  }
0x51: {  	_ =	shalt  }
0x52: {  	_ =	shalt  }
0x53: {  	_ =	shalt  }
0x54: {  	_ =	shalt  }
0x55: {  	_ =	shalt  }
0x56: {  	_ =	shalt  }
0x57: {  	_ =	shalt  }
0x58: {  	_ =	shalt  }
0x59: {  	_ =	shalt  }
0x5a: {  	_ =	shalt  }
0x5b: {  	_ =	shalt  }
0x5c: {  	_ =	shalt  }
0x5d: {  	_ =	shalt  }
0x5e: {  	_ =	shalt  }
0x5f: {  	_ =	shalt  }
0x60: {  	_ =	shalt  }
0x61: {  	_ =	shalt  }
0x62: {  	_ =	shalt  }
0x63: {  	_ =	shalt  }
0x64: {  	_ =	shalt  }
0x65: {  	_ =	shalt  }
0x66: {  	_ =	shalt  }
0x67: {  	_ =	shalt  }
0x68: {  	_ =	shalt  }
0x69: {  	_ =	shalt  }
0x6a: {  	_ =	shalt  }
0x6b: {  	_ =	shalt  }
0x6c: {  	_ =	shalt  }
0x6d: {  	_ =	shalt  }
0x6e: {  	_ =	shalt  }
0x6f: {  	_ =	shalt  }
0x70: {  	_ =	shalt  }
0x71: {  	_ =	shalt  }
0x72: {  	_ =	shalt  }
0x73: {  	_ =	shalt  }
0x74: {  	_ =	shalt  }
0x75: {  	_ =	shalt  }
0x76: {  	_ =	shalt  }
0x77: {  	_ =	shalt  }
0x78: {  	_ =	shalt  }
0x79: {  	_ =	shalt  }
0x7a: {  	_ =	shalt  }
0x7b: {  	_ =	shalt  }
0x7c: {  	_ =	shalt  }
0x7d: {  	_ =	shalt  }
0x7e: {  	_ =	shalt  }
0x7f: {  	_ =	shalt  }
0x80: {  	_ =	shalt  }
0x81: {  	_ =	shalt  }
0x82: {  	_ =	shalt  }
0x83: {  	_ =	shalt  }
0x84: {  	_ =	shalt  }
0x85: {  	_ =	shalt  }
0x86: {  	_ =	shalt  }
0x87: {  	_ =	shalt  }
.Lfunc_end0:
.L_simem_size_0:
called_computation_lowered:
.L_overlay_start_0:
0x88: {  	s2 =	sld [smem:$0x3FD9]  }
0x89: {  	s3 =	sld [smem:$0x3FFE];
	_ =	sdelay $0x1  }
0x8a: {  	s1 =	srdreg.scid  }
0x8b: {  	s0 =	sand.u32 $0x1, s1  }
0x8c: {  	s16 =	sshll.u32 s0, $0xA;
	s2 =	sadd.s32 s3, s2  }
0x8d: {  	s2 =	sadd.s32 s2, s16  }
0x8e: {  	[smem:$0x3FC7] =	sst s2  }
0x8f: {  	_ = 	snop  }
0x90: {  	(tm) =	ssettm $0x1  }
0x91: {  	s17 =	sld [smem:$0x3FFB];
	_ =	sdelay $0x3  }
0x92: {  	_ =	strace s17  }
0x93: {  	s2 =	sld [smem:$0x3FFC];
	_ =	sdelay $0x3  }
0x94: {  	_ =	strace s2  }
0x95: {  	s2 =	sld [smem:$0x3FFD];
	_ =	sdelay $0x3  }
0x96: {  	_ =	strace s2  }
0x97: {  	_ =	strace $0x8FFFFFFF  }
0x98: {  	s18 =	sld [smem:$0x3FDB];
	_ =	sdelay $0x1  }
0x99: {  	s19 =	simm.s32 $_scs_section_size  }
0x9a: {  	s4 =	simm.s32 $_size__tile_overlayer_lowered;
	s5 =	simm.s32 $_tile_overlayer_lowered  }
0x9b: {  	s22 =	simm.s32 $0x1BFF;
	s21 =	sshll.u32 s5, $0x1;
	s2 =	sadd.s32 s19, s18  }
0x9c: {  	s6 =	simm.s32 $0x0;
	s20 =	sshll.u32 s4, $0x1;
	s4 =	sadd.s32 s21, s2  }
0x9d: {  	[timem:s6], [sflag:s22] =	dma.local [hbm:s4], s20  }
0x9e: {  	_ =	swait.ge [sflag:s22], s20  }
0x9f: {  	s3 =	ssub.s32 $0x0, s20;
	[sflag:s22] =	ssyncset.done $0x0  }
0xa0: {  	[sflag:s22] =	ssyncadd.s32 s3;
	_ =	sdelay $0x1  }
0xa1: {  	s23 =	simm.s32 $0x1B8B  }
0xa2: {  	_ =	swait.ge [sflag:s23], $0x1  }
0xa3: {  	[sflag:s23] =	ssyncset.done $0x0  }
0xa4: {  	s25 =	simm.s32 $0x1B8E;
	s24 =	sld [smem:$0x3FFE];
	[sflag:s23] =	ssyncadd.s32 $0xFFFFFFFF  }
0xa5: {  	s26 =	simm.s32 $execute0_lowered;
	[smem:$0x3FD2] =	sst s25  }
0xa6: {  	s4 =	sshll.u32 s26, $0x1;
	_ =	strace $0x80000046;
	[dreg:$0x1] =	wrdreg $0xFFFFFFFF  }
0xa7: {  	s28 =	simm.s32 $_size_execute0_lowered;
	s2 =	sadd.s32 s2, s4;
	[dreg:$0x0] =	wrdreg $0x0  }
0xa8: {  	s4 =	sshll.u32 s28, $0x1;
	[dreg:$0x2] =	wrdreg s2  }
0xa9: {  	[dreg:$0x3] =	wrdreg s4  }
0xaa: {  	[dreg:$0x4] =	wrdreg $0xC0  }
0xab: {  	_ =	task [dreg:s6], $0x5FFFF  }
0xac: {  	[dreg:$0x1] =	wrdreg $0xFFFFFFFF  }
0xad: {  	[dreg:$0x0] =	wrdreg $0x60  }
0xae: {  	[dreg:$0x2] =	wrdreg s24  }
0xaf: {  	[dreg:$0x3] =	wrdreg $0x9  }
0xb0: {  	_ =	task.clear_ibuf [dreg:s6], $0x4FFFF;
	_ =	strace $0x90000046  }
0xb1: {  	s29 =	simm.s32 $0x9;
	_ =	strace $0x80000048  }
0xb2: {  	_ =	swait.ge [sflag:s29], $0x1  }
0xb3: {  	[sflag:s29] =	ssyncadd.s32 $0xFFFFFFFF  }
0xb4: {  	_ =	strace $0x90000048  }
0xb5: {  	_ =	sfence  }
0xb6: {  	s30 =	sld [smem:$0x0];
	_ =	sdelay $0x2  }
0xb7: {  	s31 =	sshll.u32 s1, $0xD;
	s1 =	sshrl.u32 s1, $0x2  }
0xb8: {  	s3 =	sand.u32 $0x4000, s31;
	s1 =	sadd.s32 s1, s30  }
0xb9: {  	s0 =	sor.u32 s3, s0;
	s1 =	sshll.u32 s1, $0x11  }
0xba: {  	s0 =	sor.u32 s1, s0  }
0xbb: {  	s0 =	sadd.s32 $0x8F2B, s0  }
0xbc: {  	[sflag:s0] =	ssyncadd.remote.s32 $0x1  }
0xbd: {  	_ =	sfence.sel $0xFFFF  }
0xbe: {  	[dreg:$0x0] =	wrdreg $0xFFFFFFFF;
	(pc) =	sbr.abs _section_cstart, $3  }
0xbf: {  	[dreg:$0x1] =	wrdreg $0xFFFFFFFF  }
0xc0: {  	_ =	task.clear_ibuf [dreg:s6], $0x2FFFF;
	_ =	strace $0x9FFFFFFF  }
0xc1: {  	(tm) =	ssettm $0x7FFFFFFF  }
tec
execute0_lowered:
.L_overlay_start_1:
0x0: {  	(tag) =	ssettag $0x1  }
0x1: {  	s3 =	rddreg [dreg:$0x0]  }
0x2: {  	s0 =	rddreg [dreg:$0x1];
	s4 =	srdreg.scid  }
0x3: {  	s2 =	simm.s32 $0x0;
	s1 =	stileid.u32;
	s4 =	sand.u32 $0x1, s4  }
0x4: {  	s7 =	simm.s32 $0x4;
	s5 =	sshll.u32 s1, $0xF;
	s6 =	sshll.u32 s4, $0xE  }
0x5: {  	s8 =	simm.s32 $0x0;
	s4 =	ssub.s32 $0x2, s4;
	s5 =	sor.u32 s6, s5  }
0x6: {  	[smem:$0x7FF] =	sst s2;
	s31 =	sshrl.u32 s4, $0x1;
	s5 =	sadd.s32 s5, s3  }
0x7: {  	_ =	strace $0x80000047;
	s6 =	ssub.s32 s4, s31;
	s3 =	sadd.s32 $0x400, s5  }
0x8: {  	v0 =	vimm.s32 $0x1;
	s4 =	sadd.s32 $0x80400, s5;
	s5 =	smax.u32 s6, $0x1;
	s6 =	simm.s32 $0x3  }
.LBB2_1:
0x9: {  	[tilespmem:s2], [sflag:$0x1] =	stream.linear.gather [hbm4b:s3+s2], $0x4000, $0x38;
	[tilespmem:$0x10000] =	vst v63  }
0xa: {  	s9 =	simm.s32 $0x0  }
.LBB2_2:
0xb: {  	s12 =	sand.u32 $0x1, s9  }
0xc: {  	s11 =	sadd.s32 $0x1, s12  }
0xd: {  	p0 =	seq.s32 s9, $0x7;
	s10 =	sadd.s32 $0x1, s9;
	_ =	swait.ge [sflag:s11], $0x4000  }
0xe: {  	s13 =	sxor.u32 @!p0 $0x1, s12;
	s15 =	simm.s32 @!p0 $0x0;
	[sflag:s11] =	ssyncset.done $0x0  }
0xf: {  	p1 =	slt.u32 @!p0 s9, $0x2;
	[sflag:s11] =	ssyncadd.s32 $0xFFFFC000;
	s11 =	sshll.u32 @!p0 s10, $0xB  }
0x10: {  	s14 =	sshll.u32 @!p0 s13, $0xE;
	s13 =	sadd.s32 @!p0 $0x1, s13;
	s11 =	sadd.s32 @!p0 s11, s3  }
0x11: {  	[tilespmem:s14], [sflag:s13] =	stream.linear.gather @!p0 [hbm4b:s11+s15], $0x4000, $0x38;
	[tilespmem:$0x10000] =	vst v63  }
0x12: {  	s28 =	simm.s32 $0x0;
	p0 =	por p0, !p1;
	s11 =	sadd.s32 $0x3, s12  }
0x13: {  	s29 =	sand.u32 $0x3800, s28;
	s12 =	sshll.u32 s12, $0xE;
	_ =	swait.ge @p0 [sflag:s11], $0x4000  }
0x14: {  	s13 =	sand.u32 $0x380, s28;
	s14 =	sor.u32 s12, s29;
	[sflag:s11] =	ssyncset.done @p0 $0x0  }
0x15: {  	s13 =	sor.u32 s13, s14;
	[sflag:s11] =	ssyncadd.s32 @p0 $0xFFFFC000  }
0x16: {  	v1 =	vld [tilespmem:s13+$0x0];
	_ =	sdelay $0x4  }
0x17: {  	v2 =	vshrl.u32 v1, $0x10  }
0x18: {  	v2 =	vxor.u32 v1, v2  }
0x19: {  	v2 =	vmul.u32 $0x45D9F3B, v2;
	_ =	sdelay $0x1  }
0x1a: {  	v3 =	vshrl.u32 v2, $0x10  }
0x1b: {  	v2 =	vxor.u32 v2, v3  }
0x1c: {  	v2 =	vmul.u32 $0x45D9F3B, v2;
	_ =	sdelay $0x1  }
0x1d: {  	v3 =	vshrl.u32 v2, $0x10  }
0x1e: {  	v4 =	vmul.u32 $0x218D, v3;
	_ =	sdelay $0x1  }
0x1f: {  	v4 =	vshrl.u32 v4, $0x11  }
0x20: {  	v4 =	vmul.u32 $0xFFF0BDC1, v4  }
0x21: {  	v2 =	vxor.u32 v2, v3  }
0x22: {  	v2 =	vadd.s32 v2, v4  }
0x23: {  	vm0 =	vgt.s32 v2, $0xF423E  }
0x24: {  	v3 =	vsel vm0, $0xFFF0BDC2, v0  }
0x25: {  	vm9 =	veq.s32 v1, $0x0;
	v1 =	vadd.s32 v2, v3  }
0x26: {  	v1 =	vsel vm9, $0x0, v1  }
0x27: {  	s14 =	sor.u32 $0x10, s13;
	[tilespmem:s13+$0x8000] =	vst v1  }
0x28: {  	v1 =	vld [tilespmem:s14+$0x0];
	_ =	sdelay $0x4  }
0x29: {  	v2 =	vshrl.u32 v1, $0x10  }
0x2a: {  	v2 =	vxor.u32 v1, v2  }
0x2b: {  	v2 =	vmul.u32 $0x45D9F3B, v2;
	_ =	sdelay $0x1  }
0x2c: {  	v3 =	vshrl.u32 v2, $0x10  }
0x2d: {  	v2 =	vxor.u32 v2, v3  }
0x2e: {  	v2 =	vmul.u32 $0x45D9F3B, v2;
	_ =	sdelay $0x1  }
0x2f: {  	v3 =	vshrl.u32 v2, $0x10  }
0x30: {  	v4 =	vmul.u32 $0x218D, v3;
	_ =	sdelay $0x1  }
0x31: {  	v4 =	vshrl.u32 v4, $0x11  }
0x32: {  	v4 =	vmul.u32 $0xFFF0BDC1, v4  }
0x33: {  	v2 =	vxor.u32 v2, v3  }
0x34: {  	v2 =	vadd.s32 v2, v4  }
0x35: {  	vm10 =	vgt.s32 v2, $0xF423E  }
0x36: {  	v3 =	vsel vm10, $0xFFF0BDC2, v0  }
0x37: {  	vm11 =	veq.s32 v1, $0x0;
	v1 =	vadd.s32 v2, v3  }
0x38: {  	s30 =	sor.u32 $0x8010, s13;
	v1 =	vsel vm11, $0x0, v1  }
0x39: {  	s31 =	sor.u32 $0x20, s13;
	[tilespmem:s30+$0x0] =	vst v1  }
0x3a: {  	v1 =	vld [tilespmem:s31+$0x0];
	_ =	sdelay $0x4  }
0x3b: {  	v2 =	vshrl.u32 v1, $0x10  }
0x3c: {  	v2 =	vxor.u32 v1, v2  }
0x3d: {  	v2 =	vmul.u32 $0x45D9F3B, v2;
	_ =	sdelay $0x1  }
0x3e: {  	v3 =	vshrl.u32 v2, $0x10  }
0x3f: {  	v2 =	vxor.u32 v2, v3  }
0x40: {  	v2 =	vmul.u32 $0x45D9F3B, v2;
	_ =	sdelay $0x1  }
0x41: {  	v3 =	vshrl.u32 v2, $0x10  }
0x42: {  	v4 =	vmul.u32 $0x218D, v3;
	_ =	sdelay $0x1  }
0x43: {  	v4 =	vshrl.u32 v4, $0x11  }
0x44: {  	v4 =	vmul.u32 $0xFFF0BDC1, v4  }
0x45: {  	v2 =	vxor.u32 v2, v3  }
0x46: {  	v2 =	vadd.s32 v2, v4  }
0x47: {  	vm12 =	vgt.s32 v2, $0xF423E  }
0x48: {  	v3 =	vsel vm12, $0xFFF0BDC2, v0  }
0x49: {  	s15 =	simm.s32 $0x100;
	vm13 =	veq.s32 v1, $0x0;
	v1 =	vadd.s32 v2, v3  }
0x4a: {  	s18 =	simm.s32 $0x80;
	s17 =	sor.u32 $0x8020, s13;
	s14 =	sand.u32 $0x3800, s15;
	v1 =	vsel vm13, $0x0, v1  }
0x4b: {  	s16 =	sor.u32 $0x30, s13;
	s15 =	sand.u32 $0x380, s18;
	s14 =	sor.u32 s12, s14;
	[tilespmem:s17+$0x0] =	vst v1  }
0x4c: {  	s14 =	sor.u32 s15, s14;
	v1 =	vld [tilespmem:s16+$0x0]  }
0x4d: {  	v2 =	vld [tilespmem:s14+$0x0];
	_ =	sdelay $0x3  }
0x4e: {  	v3 =	vshrl.u32 v1, $0x10  }
0x4f: {  	v4 =	vshrl.u32 v2, $0x10;
	v3 =	vxor.u32 v1, v3  }
0x50: {  	v4 =	vxor.u32 v2, v4;
	v3 =	vmul.u32 $0x45D9F3B, v3  }
0x51: {  	v4 =	vmul.u32 $0x45D9F3B, v4  }
0x52: {  	v5 =	vshrl.u32 v3, $0x10  }
0x53: {  	v3 =	vxor.u32 v3, v5;
	v5 =	vshrl.u32 v4, $0x10  }
0x54: {  	v3 =	vmul.u32 $0x45D9F3B, v3;
	v4 =	vxor.u32 v4, v5  }
0x55: {  	v4 =	vmul.u32 $0x45D9F3B, v4  }
0x56: {  	v5 =	vshrl.u32 v3, $0x10  }
0x57: {  	v6 =	vmul.u32 $0x218D, v5;
	v7 =	vshrl.u32 v4, $0x10  }
0x58: {  	v8 =	vmul.u32 $0x218D, v7  }
0x59: {  	v6 =	vshrl.u32 v6, $0x11  }
0x5a: {  	v3 =	vxor.u32 v3, v5;
	v6 =	vmul.u32 $0xFFF0BDC1, v6;
	v5 =	vshrl.u32 v8, $0x11  }
0x5b: {  	v5 =	vmul.u32 $0xFFF0BDC1, v5  }
0x5c: {  	v4 =	vxor.u32 v4, v7;
	v3 =	vadd.s32 v3, v6  }
0x5d: {  	vm14 =	vgt.s32 v3, $0xF423E;
	v4 =	vadd.s32 v4, v5  }
0x5e: {  	v5 =	vsel vm14, $0xFFF0BDC2, v0;
	vm1 =	vgt.s32 v4, $0xF423E  }
0x5f: {  	vm15 =	veq.s32 v1, $0x0;
	v1 =	vadd.s32 v3, v5;
	v3 =	vsel vm1, $0xFFF0BDC2, v0  }
0x60: {  	s19 =	sor.u32 $0x8030, s13;
	vm4 =	veq.s32 v2, $0x0;
	v1 =	vsel vm15, $0x0, v1;
	v2 =	vadd.s32 v4, v3  }
0x61: {  	s20 =	sor.u32 $0x40, s13;
	[tilespmem:s19+$0x0] =	vst v1;
	v1 =	vsel vm4, $0x0, v2  }
0x62: {  	s21 =	sor.u32 $0x10, s14;
	v2 =	vld [tilespmem:s20+$0x0];
	[tilespmem:s14+$0x8000] =	vst v1  }
0x63: {  	v1 =	vld [tilespmem:s21+$0x0];
	_ =	sdelay $0x3  }
0x64: {  	v3 =	vshrl.u32 v2, $0x10  }
0x65: {  	v3 =	vxor.u32 v2, v3;
	v4 =	vshrl.u32 v1, $0x10  }
0x66: {  	v3 =	vmul.u32 $0x45D9F3B, v3;
	v4 =	vxor.u32 v1, v4  }
0x67: {  	v4 =	vmul.u32 $0x45D9F3B, v4  }
0x68: {  	v5 =	vshrl.u32 v3, $0x10  }
0x69: {  	v3 =	vxor.u32 v3, v5;
	v5 =	vshrl.u32 v4, $0x10  }
0x6a: {  	v3 =	vmul.u32 $0x45D9F3B, v3;
	v4 =	vxor.u32 v4, v5  }
0x6b: {  	v4 =	vmul.u32 $0x45D9F3B, v4  }
0x6c: {  	v5 =	vshrl.u32 v3, $0x10  }
0x6d: {  	v6 =	vmul.u32 $0x218D, v5;
	v7 =	vshrl.u32 v4, $0x10  }
0x6e: {  	v8 =	vmul.u32 $0x218D, v7  }
0x6f: {  	v6 =	vshrl.u32 v6, $0x11  }
0x70: {  	v3 =	vxor.u32 v3, v5;
	v6 =	vmul.u32 $0xFFF0BDC1, v6;
	v5 =	vshrl.u32 v8, $0x11  }
0x71: {  	v5 =	vmul.u32 $0xFFF0BDC1, v5  }
0x72: {  	v4 =	vxor.u32 v4, v7;
	v3 =	vadd.s32 v3, v6  }
0x73: {  	vm5 =	vgt.s32 v3, $0xF423E;
	v4 =	vadd.s32 v4, v5  }
0x74: {  	v5 =	vsel vm5, $0xFFF0BDC2, v0;
	vm6 =	vgt.s32 v4, $0xF423E  }
0x75: {  	vm7 =	veq.s32 v2, $0x0;
	v2 =	vadd.s32 v3, v5;
	v3 =	vsel vm6, $0xFFF0BDC2, v0  }
0x76: {  	s22 =	sor.u32 $0x8040, s13;
	vm8 =	veq.s32 v1, $0x0;
	v2 =	vsel vm7, $0x0, v2;
	v1 =	vadd.s32 v4, v3  }
0x77: {  	s23 =	sor.u32 $0x50, s13;
	s24 =	sor.u32 $0x8010, s14;
	[tilespmem:s22+$0x0] =	vst v2;
	v1 =	vsel vm8, $0x0, v1  }
0x78: {  	s25 =	sor.u32 $0x20, s14;
	v2 =	vld [tilespmem:s23+$0x0];
	[tilespmem:s24+$0x0] =	vst v1  }
0x79: {  	v1 =	vld [tilespmem:s25+$0x0];
	_ =	sdelay $0x3  }
0x7a: {  	v3 =	vshrl.u32 v2, $0x10  }
0x7b: {  	v3 =	vxor.u32 v2, v3;
	v4 =	vshrl.u32 v1, $0x10  }
0x7c: {  	v3 =	vmul.u32 $0x45D9F3B, v3;
	v4 =	vxor.u32 v1, v4  }
0x7d: {  	v4 =	vmul.u32 $0x45D9F3B, v4  }
0x7e: {  	v5 =	vshrl.u32 v3, $0x10  }
0x7f: {  	v3 =	vxor.u32 v3, v5;
	v5 =	vshrl.u32 v4, $0x10  }
0x80: {  	v3 =	vmul.u32 $0x45D9F3B, v3;
	v4 =	vxor.u32 v4, v5  }
0x81: {  	v4 =	vmul.u32 $0x45D9F3B, v4  }
0x82: {  	v5 =	vshrl.u32 v3, $0x10  }
0x83: {  	v6 =	vmul.u32 $0x218D, v5;
	v7 =	vshrl.u32 v4, $0x10  }
0x84: {  	v8 =	vmul.u32 $0x218D, v7  }
0x85: {  	v6 =	vshrl.u32 v6, $0x11  }
0x86: {  	v3 =	vxor.u32 v3, v5;
	v6 =	vmul.u32 $0xFFF0BDC1, v6;
	v5 =	vshrl.u32 v8, $0x11  }
0x87: {  	v5 =	vmul.u32 $0xFFF0BDC1, v5  }
0x88: {  	v4 =	vxor.u32 v4, v7;
	v3 =	vadd.s32 v3, v6  }
0x89: {  	vm9 =	vgt.s32 v3, $0xF423E;
	v4 =	vadd.s32 v4, v5  }
0x8a: {  	v5 =	vsel vm9, $0xFFF0BDC2, v0;
	vm10 =	vgt.s32 v4, $0xF423E  }
0x8b: {  	vm11 =	veq.s32 v2, $0x0;
	v2 =	vadd.s32 v3, v5;
	v3 =	vsel vm10, $0xFFF0BDC2, v0  }
0x8c: {  	s26 =	sor.u32 $0x8050, s13;
	vm12 =	veq.s32 v1, $0x0;
	v2 =	vsel vm11, $0x0, v2;
	v1 =	vadd.s32 v4, v3  }
0x8d: {  	s29 =	simm.s32 $0x200;
	s28 =	sor.u32 $0x60, s13;
	s17 =	sor.u32 $0x8020, s14;
	[tilespmem:s26+$0x0] =	vst v2;
	v1 =	vsel vm12, $0x0, v1  }
0x8e: {  	s30 =	sor.u32 $0x30, s14;
	s31 =	simm.s32 $0x100;
	s16 =	sand.u32 $0x3800, s29;
	v2 =	vld [tilespmem:s28+$0x0];
	[tilespmem:s17+$0x0] =	vst v1  }
0x8f: {  	s16 =	sor.u32 s12, s16;
	s17 =	sand.u32 $0x380, s31;
	v1 =	vld [tilespmem:s30+$0x0]  }
0x90: {  	s15 =	sor.u32 s17, s16  }
0x91: {  	v3 =	vld [tilespmem:s15+$0x0];
	_ =	sdelay $0x1  }
0x92: {  	v4 =	vshrl.u32 v2, $0x10  }
0x93: {  	v4 =	vxor.u32 v2, v4;
	v5 =	vshrl.u32 v1, $0x10  }
0x94: {  	v4 =	vmul.u32 $0x45D9F3B, v4;
	v5 =	vxor.u32 v1, v5  }
0x95: {  	v6 =	vshrl.u32 v3, $0x10;
	v5 =	vmul.u32 $0x45D9F3B, v5  }
0x96: {  	v6 =	vxor.u32 v3, v6;
	v7 =	vshrl.u32 v4, $0x10  }
0x97: {  	v6 =	vmul.u32 $0x45D9F3B, v6;
	v4 =	vxor.u32 v4, v7;
	v7 =	vshrl.u32 v5, $0x10  }
0x98: {  	v4 =	vmul.u32 $0x45D9F3B, v4;
	v5 =	vxor.u32 v5, v7  }
0x99: {  	v7 =	vshrl.u32 v6, $0x10;
	v5 =	vmul.u32 $0x45D9F3B, v5  }
0x9a: {  	v6 =	vxor.u32 v6, v7;
	v8 =	vshrl.u32 v4, $0x10  }
0x9b: {  	v6 =	vmul.u32 $0x45D9F3B, v6;
	v7 =	vmul.u32 $0x218D, v8;
	v9 =	vshrl.u32 v5, $0x10  }
0x9c: {  	v10 =	vmul.u32 $0x218D, v9  }
0x9d: {  	v4 =	vxor.u32 v4, v8;
	v11 =	vshrl.u32 v6, $0x10;
	v7 =	vshrl.u32 v7, $0x11  }
0x9e: {  	v8 =	vmul.u32 $0x218D, v11;
	v7 =	vmul.u32 $0xFFF0BDC1, v7;
	v10 =	vshrl.u32 v10, $0x11  }
0x9f: {  	vm15 =	veq.s32 v2, $0x0;
	v5 =	vxor.u32 v5, v9;
	v9 =	vmul.u32 $0xFFF0BDC1, v10  }
0xa0: {  	vm4 =	veq.s32 v1, $0x0;
	v4 =	vadd.s32 v4, v7;
	v7 =	vshrl.u32 v8, $0x11  }
0xa1: {  	vm13 =	vgt.s32 v4, $0xF423E;
	v7 =	vmul.u32 $0xFFF0BDC1, v7;
	v5 =	vadd.s32 v5, v9  }
0xa2: {  	v6 =	vxor.u32 v6, v11;
	v8 =	vsel vm13, $0xFFF0BDC2, v0;
	vm14 =	vgt.s32 v5, $0xF423E  }
0xa3: {  	v2 =	vadd.s32 v4, v8;
	v4 =	vadd.s32 v6, v7;
	v6 =	vsel vm14, $0xFFF0BDC2, v0  }
0xa4: {  	s17 =	sor.u32 $0x8060, s13;
	v2 =	vsel vm15, $0x0, v2;
	vm5 =	vgt.s32 v4, $0xF423E;
	v1 =	vadd.s32 v5, v6  }
0xa5: {  	s18 =	sor.u32 $0x70, s13;
	s19 =	sor.u32 $0x8030, s14;
	[tilespmem:s17+$0x0] =	vst v2;
	v2 =	vsel vm5, $0xFFF0BDC2, v0;
	v1 =	vsel vm4, $0x0, v1  }
0xa6: {  	s20 =	sor.u32 $0x40, s14;
	vm6 =	veq.s32 v3, $0x0;
	v5 =	vld [tilespmem:s18+$0x0];
	v2 =	vadd.s32 v4, v2;
	[tilespmem:s19+$0x0] =	vst v1  }
0xa7: {  	v1 =	vsel vm6, $0x0, v2;
	v2 =	vld [tilespmem:s20+$0x0]  }
0xa8: {  	s21 =	sor.u32 $0x10, s15;
	[tilespmem:s15+$0x8000] =	vst v1  }
0xa9: {  	v1 =	vld [tilespmem:s21+$0x0];
	_ =	sdelay $0x1  }
0xaa: {  	v3 =	vshrl.u32 v5, $0x10  }
0xab: {  	v3 =	vxor.u32 v5, v3;
	v4 =	vshrl.u32 v2, $0x10  }
0xac: {  	v3 =	vmul.u32 $0x45D9F3B, v3;
	v4 =	vxor.u32 v2, v4  }
0xad: {  	v6 =	vshrl.u32 v1, $0x10;
	v4 =	vmul.u32 $0x45D9F3B, v4  }
0xae: {  	v7 =	vshrl.u32 v3, $0x10;
	v6 =	vxor.u32 v1, v6  }
0xaf: {  	v3 =	vxor.u32 v3, v7;
	v6 =	vmul.u32 $0x45D9F3B, v6;
	v7 =	vshrl.u32 v4, $0x10  }
0xb0: {  	v3 =	vmul.u32 $0x45D9F3B, v3;
	v4 =	vxor.u32 v4, v7  }
0xb1: {  	v7 =	vshrl.u32 v6, $0x10;
	v4 =	vmul.u32 $0x45D9F3B, v4  }
0xb2: {  	v8 =	vshrl.u32 v3, $0x10;
	v6 =	vxor.u32 v6, v7  }
0xb3: {  	v7 =	vmul.u32 $0x218D, v8;
	v6 =	vmul.u32 $0x45D9F3B, v6;
	v9 =	vshrl.u32 v4, $0x10  }
0xb4: {  	v10 =	vmul.u32 $0x218D, v9  }
0xb5: {  	v3 =	vxor.u32 v3, v8;
	v7 =	vshrl.u32 v7, $0x11;
	v11 =	vshrl.u32 v6, $0x10  }
0xb6: {  	v7 =	vmul.u32 $0xFFF0BDC1, v7;
	v8 =	vmul.u32 $0x218D, v11;
	v10 =	vshrl.u32 v10, $0x11  }
0xb7: {  	vm7 =	veq.s32 v5, $0x0;
	vm11 =	veq.s32 v2, $0x0;
	v5 =	vmul.u32 $0xFFF0BDC1, v10  }
0xb8: {  	v4 =	vxor.u32 v4, v9;
	v3 =	vadd.s32 v3, v7;
	v7 =	vshrl.u32 v8, $0x11  }
0xb9: {  	vm8 =	vgt.s32 v3, $0xF423E;
	v7 =	vmul.u32 $0xFFF0BDC1, v7;
	v4 =	vadd.s32 v4, v5  }
0xba: {  	v5 =	vxor.u32 v6, v11;
	v8 =	vsel vm8, $0xFFF0BDC2, v0;
	vm9 =	vgt.s32 v4, $0xF423E  }
0xbb: {  	v3 =	vadd.s32 v3, v8;
	v5 =	vadd.s32 v5, v7;
	v6 =	vsel vm9, $0xFFF0BDC2, v0  }
0xbc: {  	s22 =	sor.u32 $0x8070, s13;
	v3 =	vsel vm7, $0x0, v3;
	vm10 =	vgt.s32 v5, $0xF423E;
	v2 =	vadd.s32 v4, v6  }
0xbd: {  	s23 =	sor.u32 $0x400, s13;
	s24 =	sor.u32 $0x8040, s14;
	[tilespmem:s22+$0x0] =	vst v3;
	v3 =	vsel vm10, $0xFFF0BDC2, v0;
	v2 =	vsel vm11, $0x0, v2  }
0xbe: {  	s25 =	sor.u32 $0x50, s14;
	vm12 =	veq.s32 v1, $0x0;
	v4 =	vld [tilespmem:s23+$0x0];
	v1 =	vadd.s32 v5, v3;
	[tilespmem:s24+$0x0] =	vst v2  }
0xbf: {  	s26 =	sor.u32 $0x8010, s15;
	v1 =	vsel vm12, $0x0, v1;
	v2 =	vld [tilespmem:s25+$0x0]  }
0xc0: {  	s28 =	sor.u32 $0x20, s15;
	[tilespmem:s26+$0x0] =	vst v1  }
0xc1: {  	v1 =	vld [tilespmem:s28+$0x0];
	_ =	sdelay $0x1  }
0xc2: {  	v3 =	vshrl.u32 v4, $0x10  }
0xc3: {  	v3 =	vxor.u32 v4, v3;
	v5 =	vshrl.u32 v2, $0x10  }
0xc4: {  	v3 =	vmul.u32 $0x45D9F3B, v3;
	v5 =	vxor.u32 v2, v5  }
0xc5: {  	v6 =	vshrl.u32 v1, $0x10;
	v5 =	vmul.u32 $0x45D9F3B, v5  }
0xc6: {  	v7 =	vshrl.u32 v3, $0x10;
	v6 =	vxor.u32 v1, v6  }
0xc7: {  	v3 =	vxor.u32 v3, v7;
	v6 =	vmul.u32 $0x45D9F3B, v6;
	v7 =	vshrl.u32 v5, $0x10  }
0xc8: {  	v3 =	vmul.u32 $0x45D9F3B, v3;
	v5 =	vxor.u32 v5, v7  }
0xc9: {  	v7 =	vshrl.u32 v6, $0x10;
	v5 =	vmul.u32 $0x45D9F3B, v5  }
0xca: {  	v8 =	vshrl.u32 v3, $0x10;
	v6 =	vxor.u32 v6, v7  }
0xcb: {  	v7 =	vmul.u32 $0x218D, v8;
	v6 =	vmul.u32 $0x45D9F3B, v6;
	v9 =	vshrl.u32 v5, $0x10  }
0xcc: {  	v10 =	vmul.u32 $0x218D, v9  }
0xcd: {  	vm15 =	veq.s32 v4, $0x0;
	v7 =	vshrl.u32 v7, $0x11;
	v11 =	vshrl.u32 v6, $0x10  }
0xce: {  	v7 =	vmul.u32 $0xFFF0BDC1, v7;
	v12 =	vmul.u32 $0x218D, v11;
	v10 =	vshrl.u32 v10, $0x11  }
0xcf: {  	vm2 =	veq.s32 v2, $0x0;
	v3 =	vxor.u32 v3, v8;
	v8 =	vmul.u32 $0xFFF0BDC1, v10  }
0xd0: {  	v5 =	vxor.u32 v5, v9;
	v3 =	vadd.s32 v3, v7;
	v7 =	vshrl.u32 v12, $0x11  }
0xd1: {  	vm13 =	vgt.s32 v3, $0xF423E;
	v7 =	vmul.u32 $0xFFF0BDC1, v7;
	v5 =	vadd.s32 v5, v8  }
0xd2: {  	v6 =	vxor.u32 v6, v11;
	v8 =	vsel vm13, $0xFFF0BDC2, v0;
	vm14 =	vgt.s32 v5, $0xF423E  }
0xd3: {  	v4 =	vadd.s32 v6, v7;
	v6 =	vsel vm14, $0xFFF0BDC2, v0;
	v3 =	vadd.s32 v3, v8  }
0xd4: {  	s29 =	sor.u32 $0x8050, s14;
	s30 =	sor.u32 $0x8400, s13;
	s18 =	simm.s32 $0x300;
	vm4 =	vgt.s32 v4, $0xF423E;
	v2 =	vadd.s32 v5, v6;
	v3 =	vsel vm15, $0x0, v3  }
0xd5: {  	s20 =	sor.u32 $0x410, s13;
	s22 =	sand.u32 $0x3800, s18;
	s23 =	simm.s32 $0x180;
	v5 =	vsel vm4, $0xFFF0BDC2, v0;
	v2 =	vsel vm2, $0x0, v2;
	[tilespmem:s30+$0x0] =	vst v3  }
0xd6: {  	s31 =	sor.u32 $0x60, s14;
	s17 =	sor.u32 s12, s22;
	s18 =	sand.u32 $0x380, s23;
	vm5 =	veq.s32 v1, $0x0;
	v1 =	vadd.s32 v4, v5;
	[tilespmem:s29+$0x0] =	vst v2;
	v3 =	vld [tilespmem:s20+$0x0]  }
0xd7: {  	s19 =	sor.u32 $0x8020, s15;
	s16 =	sor.u32 s18, s17;
	v1 =	vsel vm5, $0x0, v1;
	v2 =	vld [tilespmem:s31+$0x0]  }
0xd8: {  	s21 =	sor.u32 $0x30, s15;
	v4 =	vld [tilespmem:s16+$0x0];
	[tilespmem:s19+$0x0] =	vst v1  }
0xd9: {  	v1 =	vld [tilespmem:s21+$0x0];
	_ =	sdelay $0x2  }
0xda: {  	v5 =	vshrl.u32 v2, $0x10  }
0xdb: {  	v6 =	vshrl.u32 v3, $0x10;
	v5 =	vxor.u32 v2, v5  }
0xdc: {  	v8 =	vshrl.u32 v4, $0x10;
	v7 =	vshrl.u32 v1, $0x10;
	v5 =	vmul.u32 $0x45D9F3B, v5  }
0xdd: {  	v6 =	vxor.u32 v3, v6;
	v8 =	vxor.u32 v4, v8;
	v7 =	vxor.u32 v1, v7  }
0xde: {  	v6 =	vmul.u32 $0x45D9F3B, v6;
	v7 =	vmul.u32 $0x45D9F3B, v7;
	v9 =	vshrl.u32 v5, $0x10  }
0xdf: {  	v8 =	vmul.u32 $0x45D9F3B, v8;
	v5 =	vxor.u32 v5, v9  }
0xe0: {  	v10 =	vshrl.u32 v6, $0x10;
	v9 =	vshrl.u32 v7, $0x10;
	v5 =	vmul.u32 $0x45D9F3B, v5  }
0xe1: {  	v6 =	vxor.u32 v6, v10;
	v7 =	vxor.u32 v7, v9  }
0xe2: {  	v9 =	vshrl.u32 v8, $0x10;
	v7 =	vmul.u32 $0x45D9F3B, v7;
	v10 =	vshrl.u32 v5, $0x10  }
0xe3: {  	v8 =	vxor.u32 v8, v9;
	v9 =	vmul.u32 $0x218D, v10  }
0xe4: {  	vm8 =	veq.s32 v2, $0x0;
	v8 =	vmul.u32 $0x45D9F3B, v8;
	v11 =	vshrl.u32 v7, $0x10  }
0xe5: {  	vm9 =	veq.s32 v1, $0x0;
	v13 =	vmul.u32 $0x218D, v11;
	v9 =	vshrl.u32 v9, $0x11  }
0xe6: {  	v6 =	vmul.u32 $0x45D9F3B, v6;
	v15 =	vshrl.u32 v8, $0x10;
	v9 =	vmul.u32 $0xFFF0BDC1, v9  }
0xe7: {  	v5 =	vxor.u32 v5, v10;
	v10 =	vmul.u32 $0x218D, v15;
	v13 =	vshrl.u32 v13, $0x11  }
0xe8: {  	v7 =	vxor.u32 v7, v11;
	v11 =	vmul.u32 $0xFFF0BDC1, v13;
	v5 =	vadd.s32 v5, v9  }
0xe9: {  	v33 =	vshrl.u32 v6, $0x10;
	v9 =	vshrl.u32 v10, $0x11;
	vm6 =	vgt.s32 v5, $0xF423E  }
0xea: {  	v9 =	vmul.u32 $0xFFF0BDC1, v9;
	v7 =	vadd.s32 v7, v11;
	v10 =	vsel vm6, $0xFFF0BDC2, v0  }
0xeb: {  	v8 =	vxor.u32 v8, v15;
	vm7 =	vgt.s32 v7, $0xF423E;
	v2 =	vadd.s32 v5, v10  }
0xec: {  	s24 =	sor.u32 $0x8060, s14;
	v5 =	vadd.s32 v8, v9;
	v8 =	vsel vm7, $0xFFF0BDC2, v0;
	v2 =	vsel vm8, $0x0, v2  }
0xed: {  	s25 =	sor.u32 $0x70, s14;
	v14 =	vmul.u32 $0x218D, v33;
	vm10 =	vgt.s32 v5, $0xF423E;
	v1 =	vadd.s32 v7, v8;
	[tilespmem:s24+$0x0] =	vst v2  }
0xee: {  	s26 =	sor.u32 $0x8030, s15;
	v2 =	vsel vm10, $0xFFF0BDC2, v0;
	v1 =	vsel vm9, $0x0, v1;
	v7 =	vld [tilespmem:s25+$0x0]  }
0xef: {  	s28 =	sor.u32 $0x40, s15;
	vm11 =	veq.s32 v4, $0x0;
	v8 =	vshrl.u32 v14, $0x11;
	v2 =	vadd.s32 v5, v2;
	[tilespmem:s26+$0x0] =	vst v1  }
0xf0: {  	v1 =	vmul.u32 $0xFFF0BDC1, v8;
	v2 =	vsel vm11, $0x0, v2;
	v4 =	vld [tilespmem:s28+$0x0]  }
0xf1: {  	s29 =	sor.u32 $0x10, s16;
	v5 =	vxor.u32 v6, v33;
	[tilespmem:s16+$0x8000] =	vst v2  }
0xf2: {  	v1 =	vadd.s32 v5, v1;
	v2 =	vld [tilespmem:s29+$0x0]  }
0xf3: {  	vm12 =	vgt.s32 v1, $0xF423E;
	v5 =	vshrl.u32 v7, $0x10  }
0xf4: {  	vm13 =	veq.s32 v3, $0x0;
	v3 =	vsel vm12, $0xFFF0BDC2, v0;
	v5 =	vxor.u32 v7, v5  }
0xf5: {  	v1 =	vadd.s32 v1, v3;
	v3 =	vmul.u32 $0x45D9F3B, v5;
	v5 =	vshrl.u32 v4, $0x10  }
0xf6: {  	s30 =	sor.u32 $0x8410, s13;
	v1 =	vsel vm13, $0x0, v1;
	v5 =	vxor.u32 v4, v5  }
0xf7: {  	[tilespmem:s30+$0x0] =	vst v1;
	v1 =	vshrl.u32 v2, $0x10;
	v6 =	vshrl.u32 v3, $0x10;
	v5 =	vmul.u32 $0x45D9F3B, v5  }
0xf8: {  	s31 =	sor.u32 $0x420, s13;
	v1 =	vxor.u32 v2, v1;
	v3 =	vxor.u32 v3, v6  }
0xf9: {  	v8 =	vld [tilespmem:s31+$0x0];
	v1 =	vmul.u32 $0x45D9F3B, v1;
	v3 =	vmul.u32 $0x45D9F3B, v3;
	v6 =	vshrl.u32 v5, $0x10  }
0xfa: {  	v5 =	vxor.u32 v5, v6  }
0xfb: {  	v6 =	vshrl.u32 v1, $0x10;
	v9 =	vshrl.u32 v3, $0x10;
	v5 =	vmul.u32 $0x45D9F3B, v5  }
0xfc: {  	v1 =	vxor.u32 v1, v6;
	v6 =	vmul.u32 $0x218D, v9  }
0xfd: {  	vm14 =	veq.s32 v7, $0x0;
	v1 =	vmul.u32 $0x45D9F3B, v1;
	v11 =	vshrl.u32 v5, $0x10  }
0xfe: {  	v10 =	vshrl.u32 v8, $0x10;
	v6 =	vshrl.u32 v6, $0x11;
	v7 =	vmul.u32 $0x218D, v11  }
0xff: {  	v3 =	vxor.u32 v3, v9;
	v34 =	vshrl.u32 v1, $0x10;
	v6 =	vmul.u32 $0xFFF0BDC1, v6  }
0x100: {  	v10 =	vxor.u32 v8, v10;
	v9 =	vmul.u32 $0x218D, v34;
	v7 =	vshrl.u32 v7, $0x11  }
0x101: {  	v10 =	vmul.u32 $0x45D9F3B, v10;
	v3 =	vadd.s32 v3, v6;
	v6 =	vmul.u32 $0xFFF0BDC1, v7  }
0x102: {  	v5 =	vxor.u32 v5, v11;
	v7 =	vshrl.u32 v9, $0x11;
	vm15 =	vgt.s32 v3, $0xF423E  }
0x103: {  	v7 =	vmul.u32 $0xFFF0BDC1, v7;
	v9 =	vsel vm15, $0xFFF0BDC2, v0;
	v5 =	vadd.s32 v5, v6  }
0x104: {  	v1 =	vxor.u32 v1, v34;
	v3 =	vadd.s32 v3, v9;
	vm4 =	vgt.s32 v5, $0xF423E  }
0x105: {  	s18 =	sor.u32 $0x8070, s14;
	v1 =	vadd.s32 v1, v7;
	v3 =	vsel vm14, $0x0, v3;
	v6 =	vsel vm4, $0xFFF0BDC2, v0  }
0x106: {  	s19 =	sor.u32 $0x400, s14;
	vm6 =	veq.s32 v4, $0x0;
	vm5 =	vgt.s32 v1, $0xF423E;
	[tilespmem:s18+$0x0] =	vst v3;
	v3 =	vadd.s32 v5, v6  }
0x107: {  	s20 =	sor.u32 $0x8040, s15;
	v4 =	vshrl.u32 v10, $0x10;
	v5 =	vsel vm5, $0xFFF0BDC2, v0;
	v6 =	vld [tilespmem:s19+$0x0];
	v3 =	vsel vm6, $0x0, v3  }
0x108: {  	s21 =	sor.u32 $0x50, s15;
	vm7 =	veq.s32 v2, $0x0;
	v4 =	vxor.u32 v10, v4;
	v1 =	vadd.s32 v1, v5;
	[tilespmem:s20+$0x0] =	vst v3  }
0x109: {  	v2 =	vmul.u32 $0x45D9F3B, v4;
	s18 =	sor.u32 $0x8010, s16;
	v1 =	vsel vm7, $0x0, v1;
	v3 =	vld [tilespmem:s21+$0x0]  }
0x10a: {  	s22 =	sor.u32 $0x20, s16;
	[tilespmem:s18+$0x0] =	vst v1  }
0x10b: {  	v1 =	vshrl.u32 v2, $0x10;
	v4 =	vld [tilespmem:s22+$0x0]  }
0x10c: {  	v5 =	vmul.u32 $0x218D, v1;
	v7 =	vshrl.u32 v6, $0x10  }
0x10d: {  	v7 =	vxor.u32 v6, v7  }
0x10e: {  	v5 =	vshrl.u32 v5, $0x11;
	v7 =	vmul.u32 $0x45D9F3B, v7;
	v9 =	vshrl.u32 v3, $0x10  }
0x10f: {  	v1 =	vxor.u32 v2, v1;
	v2 =	vmul.u32 $0xFFF0BDC1, v5;
	v5 =	vxor.u32 v3, v9  }
0x110: {  	v9 =	vshrl.u32 v4, $0x10;
	v10 =	vshrl.u32 v7, $0x10;
	v5 =	vmul.u32 $0x45D9F3B, v5  }
0x111: {  	v1 =	vadd.s32 v1, v2;
	v2 =	vxor.u32 v4, v9;
	v7 =	vxor.u32 v7, v10  }
0x112: {  	v2 =	vmul.u32 $0x45D9F3B, v2;
	v7 =	vmul.u32 $0x45D9F3B, v7;
	v9 =	vshrl.u32 v5, $0x10  }
0x113: {  	vm9 =	veq.s32 v8, $0x0;
	v5 =	vxor.u32 v5, v9  }
0x114: {  	v9 =	vshrl.u32 v2, $0x10;
	v10 =	vshrl.u32 v7, $0x10;
	v5 =	vmul.u32 $0x45D9F3B, v5  }
0x115: {  	vm8 =	vgt.s32 v1, $0xF423E;
	v2 =	vxor.u32 v2, v9;
	v9 =	vmul.u32 $0x218D, v10  }
0x116: {  	v11 =	vsel vm8, $0xFFF0BDC2, v0;
	v2 =	vmul.u32 $0x45D9F3B, v2;
	v8 =	vshrl.u32 v5, $0x10  }
0x117: {  	v1 =	vadd.s32 v1, v11;
	v9 =	vshrl.u32 v9, $0x11;
	v11 =	vmul.u32 $0x218D, v8  }
0x118: {  	vm11 =	veq.s32 v6, $0x0;
	v35 =	vshrl.u32 v2, $0x10;
	v9 =	vmul.u32 $0xFFF0BDC1, v9  }
0x119: {  	v7 =	vxor.u32 v7, v10;
	v36 =	vmul.u32 $0x218D, v35;
	v10 =	vshrl.u32 v11, $0x11  }
0x11a: {  	v5 =	vxor.u32 v5, v8;
	v7 =	vadd.s32 v7, v9;
	v8 =	vmul.u32 $0xFFF0BDC1, v10  }
0x11b: {  	s23 =	sor.u32 $0x8420, s13;
	v1 =	vsel vm9, $0x0, v1;
	v9 =	vshrl.u32 v36, $0x11;
	vm10 =	vgt.s32 v7, $0xF423E  }
0x11c: {  	s24 =	sor.u32 $0x430, s13;
	[tilespmem:s23+$0x0] =	vst v1;
	v9 =	vmul.u32 $0xFFF0BDC1, v9;
	v10 =	vsel vm10, $0xFFF0BDC2, v0;
	v5 =	vadd.s32 v5, v8  }
0x11d: {  	s30 =	simm.s32 $0x400;
	v1 =	vld [tilespmem:s24+$0x0];
	v2 =	vxor.u32 v2, v35;
	v6 =	vadd.s32 v7, v10;
	vm12 =	vgt.s32 v5, $0xF423E  }
0x11e: {  	s25 =	sor.u32 $0x8400, s14;
	s20 =	sand.u32 $0x3800, s30;
	s18 =	simm.s32 $0x200;
	v2 =	vadd.s32 v2, v9;
	v6 =	vsel vm11, $0x0, v6;
	v7 =	vsel vm12, $0xFFF0BDC2, v0  }
0x11f: {  	s26 =	sor.u32 $0x410, s14;
	s22 =	sor.u32 s12, s20;
	vm14 =	veq.s32 v3, $0x0;
	s23 =	sand.u32 $0x380, s18;
	vm13 =	vgt.s32 v2, $0xF423E;
	[tilespmem:s25+$0x0] =	vst v6;
	v3 =	vadd.s32 v5, v7  }
0x120: {  	s28 =	sor.u32 $0x8050, s15;
	s17 =	sor.u32 s23, s22;
	v5 =	vsel vm13, $0xFFF0BDC2, v0;
	v6 =	vld [tilespmem:s26+$0x0];
	v3 =	vsel vm14, $0x0, v3  }
0x121: {  	s29 =	sor.u32 $0x60, s15;
	vm15 =	veq.s32 v4, $0x0;
	v7 =	vld [tilespmem:s17+$0x0];
	v2 =	vadd.s32 v2, v5;
	[tilespmem:s28+$0x0] =	vst v3  }
0x122: {  	s31 =	sor.u32 $0x8020, s16;
	v4 =	vshrl.u32 v1, $0x10;
	v2 =	vsel vm15, $0x0, v2;
	v3 =	vld [tilespmem:s29+$0x0]  }
0x123: {  	s21 =	sor.u32 $0x30, s16;
	[tilespmem:s31+$0x0] =	vst v2;
	v2 =	vxor.u32 v1, v4  }
0x124: {  	v4 =	vld [tilespmem:s21+$0x0];
	v2 =	vmul.u32 $0x45D9F3B, v2  }
0x125: {  	v5 =	vshrl.u32 v6, $0x10  }
0x126: {  	vm9 =	veq.s32 v7, $0x0;
	v8 =	vshrl.u32 v2, $0x10;
	v5 =	vxor.u32 v6, v5  }
0x127: {  	v2 =	vxor.u32 v2, v8;
	v5 =	vmul.u32 $0x45D9F3B, v5;
	v9 =	vshrl.u32 v3, $0x10  }
0x128: {  	v2 =	vmul.u32 $0x45D9F3B, v2;
	vm5 =	veq.s32 v3, $0x0;
	v8 =	vxor.u32 v3, v9  }
0x129: {  	v10 =	vshrl.u32 v4, $0x10;
	v9 =	vshrl.u32 v5, $0x10;
	v8 =	vmul.u32 $0x45D9F3B, v8  }
0x12a: {  	v5 =	vxor.u32 v5, v9;
	v9 =	vxor.u32 v4, v10;
	v10 =	vshrl.u32 v7, $0x10  }
0x12b: {  	v9 =	vmul.u32 $0x45D9F3B, v9;
	v11 =	vshrl.u32 v8, $0x10;
	v10 =	vxor.u32 v7, v10  }
0x12c: {  	vm7 =	veq.s32 v4, $0x0;
	v8 =	vxor.u32 v8, v11;
	v10 =	vmul.u32 $0x45D9F3B, v10  }
0x12d: {  	v37 =	vshrl.u32 v2, $0x10;
	v11 =	vshrl.u32 v9, $0x10;
	v8 =	vmul.u32 $0x45D9F3B, v8  }
0x12e: {  	v5 =	vmul.u32 $0x45D9F3B, v5;
	v9 =	vxor.u32 v9, v11;
	v11 =	vshrl.u32 v10, $0x10  }
0x12f: {  	v9 =	vmul.u32 $0x45D9F3B, v9;
	v39 =	vshrl.u32 v8, $0x10;
	v10 =	vxor.u32 v10, v11  }
0x130: {  	v38 =	vshrl.u32 v5, $0x10;
	v11 =	vmul.u32 $0x218D, v39;
	v10 =	vmul.u32 $0x45D9F3B, v10  }
0x131: {  	v5 =	vxor.u32 v5, v38;
	v13 =	vmul.u32 $0x218D, v38;
	v40 =	vshrl.u32 v9, $0x10  }
0x132: {  	v11 =	vshrl.u32 v11, $0x11;
	v41 =	vmul.u32 $0x218D, v40;
	v42 =	vshrl.u32 v10, $0x10  }
0x133: {  	v13 =	vshrl.u32 v13, $0x11;
	v11 =	vmul.u32 $0xFFF0BDC1, v11;
	v15 =	vmul.u32 $0x218D, v42  }
0x134: {  	v8 =	vxor.u32 v8, v39;
	v13 =	vmul.u32 $0xFFF0BDC1, v13;
	v14 =	vshrl.u32 v41, $0x11  }
0x135: {  	v8 =	vadd.s32 v8, v11;
	v11 =	vmul.u32 $0xFFF0BDC1, v14;
	v43 =	vshrl.u32 v15, $0x11  }
0x136: {  	v9 =	vxor.u32 v9, v40;
	vm4 =	vgt.s32 v8, $0xF423E;
	v14 =	vmul.u32 $0xFFF0BDC1, v43  }
0x137: {  	v10 =	vxor.u32 v10, v42;
	v44 =	vsel vm4, $0xFFF0BDC2, v0;
	v9 =	vadd.s32 v9, v11  }
0x138: {  	v3 =	vadd.s32 v8, v44;
	vm6 =	vgt.s32 v9, $0xF423E;
	v8 =	vadd.s32 v10, v14  }
0x139: {  	s24 =	sor.u32 $0x8060, s15;
	v3 =	vsel vm5, $0x0, v3;
	v4 =	vsel vm6, $0xFFF0BDC2, v0;
	vm8 =	vgt.s32 v8, $0xF423E  }
0x13a: {  	s25 =	sor.u32 $0x70, s15;
	[tilespmem:s24+$0x0] =	vst v3;
	v3 =	vadd.s32 v9, v4;
	v4 =	vadd.s32 v5, v13;
	v5 =	vsel vm8, $0xFFF0BDC2, v0  }
0x13b: {  	s26 =	sor.u32 $0x8030, s16;
	v16 =	vmul.u32 $0x218D, v37;
	v9 =	vld [tilespmem:s25+$0x0];
	v3 =	vsel vm7, $0x0, v3;
	v5 =	vadd.s32 v8, v5  }
0x13c: {  	s28 =	sor.u32 $0x40, s16;
	v5 =	vsel vm9, $0x0, v5;
	[tilespmem:s26+$0x0] =	vst v3  }
0x13d: {  	s20 =	sor.u32 $0x10, s17;
	v3 =	vshrl.u32 v16, $0x11;
	[tilespmem:s17+$0x8000] =	vst v5;
	v5 =	vld [tilespmem:s28+$0x0]  }
0x13e: {  	vm11 =	veq.s32 v6, $0x0;
	vm10 =	vgt.s32 v4, $0xF423E;
	v3 =	vmul.u32 $0xFFF0BDC1, v3;
	v6 =	vld [tilespmem:s20+$0x0]  }
0x13f: {  	vm13 =	veq.s32 v1, $0x0;
	v2 =	vxor.u32 v2, v37;
	v7 =	vsel vm10, $0xFFF0BDC2, v0  }
0x140: {  	v4 =	vadd.s32 v4, v7;
	v2 =	vadd.s32 v2, v3;
	v7 =	vshrl.u32 v9, $0x10  }
0x141: {  	v4 =	vsel vm11, $0x0, v4;
	vm12 =	vgt.s32 v2, $0xF423E;
	v3 =	vxor.u32 v9, v7  }
0x142: {  	s29 =	sor.u32 $0x8410, s14;
	vm14 =	veq.s32 v9, $0x0;
	v3 =	vmul.u32 $0x45D9F3B, v3;
	v1 =	vshrl.u32 v5, $0x10  }
0x143: {  	s30 =	sor.u32 $0x420, s14;
	[tilespmem:s29+$0x0] =	vst v4;
	v7 =	vsel vm12, $0xFFF0BDC2, v0;
	v8 =	vshrl.u32 v6, $0x10;
	v1 =	vxor.u32 v5, v1  }
0x144: {  	v4 =	vld [tilespmem:s30+$0x0];
	v10 =	vshrl.u32 v3, $0x10;
	v8 =	vxor.u32 v6, v8;
	v1 =	vmul.u32 $0x45D9F3B, v1  }
0x145: {  	v2 =	vadd.s32 v2, v7;
	v3 =	vxor.u32 v3, v10;
	v7 =	vmul.u32 $0x45D9F3B, v8  }
0x146: {  	vm6 =	veq.s32 v5, $0x0;
	v8 =	vmul.u32 $0x45D9F3B, v3;
	v10 =	vshrl.u32 v1, $0x10  }
0x147: {  	v3 =	vsel vm13, $0x0, v2;
	v11 =	vshrl.u32 v7, $0x10;
	v1 =	vxor.u32 v1, v10  }
0x148: {  	v10 =	vshrl.u32 v8, $0x10;
	v7 =	vxor.u32 v7, v11;
	v1 =	vmul.u32 $0x45D9F3B, v1  }
0x149: {  	v2 =	vshrl.u32 v4, $0x10;
	v11 =	vmul.u32 $0x218D, v10;
	v7 =	vmul.u32 $0x45D9F3B, v7  }
0x14a: {  	v2 =	vxor.u32 v4, v2;
	v8 =	vxor.u32 v8, v10;
	v9 =	vshrl.u32 v1, $0x10  }
0x14b: {  	v10 =	vshrl.u32 v11, $0x11;
	v11 =	vshrl.u32 v7, $0x10;
	v45 =	vmul.u32 $0x218D, v9  }
0x14c: {  	v10 =	vmul.u32 $0xFFF0BDC1, v10;
	v7 =	vxor.u32 v7, v11;
	v11 =	vmul.u32 $0x218D, v11  }
0x14d: {  	v2 =	vmul.u32 $0x45D9F3B, v2;
	v9 =	vxor.u32 v1, v9;
	v1 =	vshrl.u32 v45, $0x11  }
0x14e: {  	s20 =	sor.u32 $0x8430, s13;
	v8 =	vadd.s32 v8, v10;
	v10 =	vshrl.u32 v11, $0x11;
	v11 =	vmul.u32 $0xFFF0BDC1, v1  }
0x14f: {  	s31 =	sor.u32 $0x440, s13;
	[tilespmem:s20+$0x0] =	vst v3;
	v46 =	vshrl.u32 v2, $0x10;
	vm15 =	vgt.s32 v8, $0xF423E;
	v10 =	vmul.u32 $0xFFF0BDC1, v10  }
0x150: {  	v2 =	vxor.u32 v2, v46;
	v1 =	vld.msk [tilespmem:s31+$0x0], $0xff;
	v47 =	vsel vm15, $0xFFF0BDC2, v0;
	v9 =	vadd.s32 v9, v11  }
0x151: {  	v8 =	vadd.s32 v8, v47;
	v7 =	vadd.s32 v7, v10;
	vm4 =	vgt.s32 v9, $0xF423E  }
0x152: {  	s21 =	sor.u32 $0x8070, s15;
	v8 =	vsel vm14, $0x0, v8;
	vm5 =	vgt.s32 v7, $0xF423E;
	v10 =	vsel vm4, $0xFFF0BDC2, v0  }
0x153: {  	s22 =	sor.u32 $0x400, s15;
	v2 =	vmul.u32 $0x45D9F3B, v2;
	[tilespmem:s21+$0x0] =	vst v8;
	v8 =	vsel vm5, $0xFFF0BDC2, v0;
	v5 =	vadd.s32 v9, v10  }
0x154: {  	s23 =	sor.u32 $0x8040, s16;
	vm7 =	veq.s32 v6, $0x0;
	v9 =	vld [tilespmem:s22+$0x0];
	v6 =	vadd.s32 v7, v8;
	v5 =	vsel vm6, $0x0, v5  }
0x155: {  	s24 =	sor.u32 $0x50, s16;
	s21 =	sor.u32 $0x8010, s17;
	v7 =	vshrl.u32 v1, $0x10;
	v8 =	vshrl.u32 v2, $0x10;
	v6 =	vsel vm7, $0x0, v6;
	[tilespmem:s23+$0x0] =	vst v5  }
0x156: {  	v5 =	vmul.u32 $0x218D, v8;
	v7 =	vxor.u32 v1, v7;
	[tilespmem:s21+$0x0] =	vst v6;
	v6 =	vld [tilespmem:s24+$0x0]  }
0x157: {  	s25 =	sor.u32 $0x20, s17;
	v7 =	vmul.u32 $0x45D9F3B, v7  }
0x158: {  	vm9 =	veq.s32 v4, $0x0;
	v10 =	vld [tilespmem:s25+$0x0];
	v5 =	vshrl.u32 v5, $0x11  }
0x159: {  	v5 =	vmul.u32 $0xFFF0BDC1, v5;
	v48 =	vshrl.u32 v7, $0x10;
	v11 =	vshrl.u32 v9, $0x10  }
0x15a: {  	v2 =	vxor.u32 v2, v8;
	v7 =	vxor.u32 v7, v48;
	v11 =	vxor.u32 v9, v11  }
0x15b: {  	v2 =	vadd.s32 v2, v5;
	v8 =	vmul.u32 $0x45D9F3B, v11;
	v5 =	vshrl.u32 v6, $0x10  }
0x15c: {  	vm11 =	veq.s32 v9, $0x0;
	v11 =	vmul.u32 $0x45D9F3B, v7;
	v5 =	vxor.u32 v6, v5  }
0x15d: {  	v7 =	vshrl.u32 v10, $0x10;
	v49 =	vshrl.u32 v8, $0x10;
	v5 =	vmul.u32 $0x45D9F3B, v5  }
0x15e: {  	vm8 =	vgt.s32 v2, $0xF423E;
	v7 =	vxor.u32 v10, v7;
	v8 =	vxor.u32 v8, v49  }
0x15f: {  	v7 =	vmul.u32 $0x45D9F3B, v7;
	v8 =	vmul.u32 $0x45D9F3B, v8;
	v51 =	vshrl.u32 v5, $0x10  }
0x160: {  	vm14 =	veq.s32 v6, $0x0;
	v50 =	vsel vm8, $0xFFF0BDC2, v0;
	v5 =	vxor.u32 v5, v51  }
0x161: {  	v53 =	vshrl.u32 v7, $0x10;
	v54 =	vshrl.u32 v8, $0x10;
	v5 =	vmul.u32 $0x45D9F3B, v5  }
0x162: {  	vm15 =	veq.s32 v10, $0x0;
	v7 =	vxor.u32 v7, v53;
	v55 =	vmul.u32 $0x218D, v54  }
0x163: {  	v2 =	vadd.s32 v2, v50;
	v7 =	vmul.u32 $0x45D9F3B, v7;
	v4 =	vshrl.u32 v5, $0x10  }
0x164: {  	v2 =	vsel vm9, $0x0, v2;
	v56 =	vshrl.u32 v55, $0x11;
	v58 =	vmul.u32 $0x218D, v4  }
0x165: {  	v8 =	vxor.u32 v8, v54;
	v57 =	vshrl.u32 v7, $0x10;
	v12 =	vmul.u32 $0xFFF0BDC1, v56  }
0x166: {  	s26 =	sor.u32 $0x8420, s14;
	v4 =	vxor.u32 v5, v4;
	v5 =	vmul.u32 $0x218D, v57;
	v59 =	vshrl.u32 v58, $0x11  }
0x167: {  	s28 =	sor.u32 $0x430, s14;
	v52 =	vshrl.u32 v11, $0x10;
	[tilespmem:s26+$0x0] =	vst v2;
	v8 =	vadd.s32 v8, v12;
	v60 =	vmul.u32 $0xFFF0BDC1, v59  }
0x168: {  	v62 =	vmul.u32 $0x218D, v52;
	v2 =	vld [tilespmem:s28+$0x0];
	v5 =	vshrl.u32 v5, $0x11;
	vm10 =	vgt.s32 v8, $0xF423E  }
0x169: {  	v5 =	vmul.u32 $0xFFF0BDC1, v5;
	v61 =	vsel vm10, $0xFFF0BDC2, v0;
	v4 =	vadd.s32 v4, v60  }
0x16a: {  	v7 =	vxor.u32 v7, v57;
	v8 =	vadd.s32 v8, v61;
	vm12 =	vgt.s32 v4, $0xF423E  }
0x16b: {  	s29 =	sor.u32 $0x8400, s15;
	[tilespmem:s20+$0x0] =	vst v3;
	v5 =	vadd.s32 v7, v5;
	v7 =	vsel vm11, $0x0, v8;
	v8 =	vsel vm12, $0xFFF0BDC2, v0  }
0x16c: {  	s30 =	sor.u32 $0x410, s15;
	v3 =	vxor.u32 v11, v52;
	vm13 =	vgt.s32 v5, $0xF423E;
	v4 =	vadd.s32 v4, v8;
	[tilespmem:s29+$0x0] =	vst v7  }
0x16d: {  	s31 =	sor.u32 $0x8050, s16;
	v9 =	vshrl.u32 v2, $0x10;
	v63 =	vsel vm13, $0xFFF0BDC2, v0;
	v4 =	vsel vm14, $0x0, v4;
	v6 =	vld [tilespmem:s30+$0x0]  }
0x16e: {  	s23 =	sor.u32 $0x60, s16;
	v5 =	vadd.s32 v5, v63;
	[tilespmem:s31+$0x0] =	vst v4;
	v4 =	vxor.u32 v2, v9;
	v9 =	vshrl.u32 v62, $0x11  }
0x16f: {  	s19 =	sor.u32 $0x30, s17;
	s22 =	sor.u32 $0x8020, s17;
	s21 =	simm.s32 $0x500;
	v8 =	vsel vm15, $0x0, v5;
	v7 =	vld [tilespmem:s23+$0x0];
	v5 =	vmul.u32 $0x45D9F3B, v4;
	v4 =	vmul.u32 $0xFFF0BDC1, v9  }
.LBB2_3:
0x170: {  	s20 =	smov.u32 s21  }
0x171: {  	s23 =	sand.u32 $0x3800, s21;
	[tilespmem:s22+$0x0] =	vst v8;
	s18 =	sadd.s32 $0x80, s18;
	vm0 =	veq.s32 v1, $0x0;
	s20 =	sadd.s32 $0x100, s21  }
0x172: {  	p0 =	sne.s32 s21, $0x3F00;
	s22 =	sor.u32 s12, s23;
	s23 =	sand.u32 $0x380, s18;
	v8 =	vshrl.u32 v6, $0x10;
	v9 =	vshrl.u32 v5, $0x10;
	v3 =	vadd.s32 v3, v4;
	v1 =	vld [tilespmem:s19+$0x0]  }
0x173: {  	s21 =	sor.u32 s23, s22;
	v4 =	vxor.u32 v6, v8;
	v5 =	vxor.u32 v5, v9;
	vm1 =	vgt.s32 v3, $0xF423E  }
0x174: {  	s22 =	sor.u32 $0x10, s21;
	s19 =	sor.u32 $0x30, s21;
	v4 =	vmul.u32 $0x45D9F3B, v4;
	v5 =	vmul.u32 $0x45D9F3B, v5;
	v9 =	vsel vm1, $0xFFF0BDC2, v0;
	v8 =	vld [tilespmem:s21+$0x0]  }
0x175: {  	vm1 =	veq.s32 v6, $0x0;
	v10 =	vshrl.u32 v7, $0x10;
	v3 =	vadd.s32 v3, v9  }
0x176: {  	v6 =	vxor.u32 v7, v10;
	v9 =	vshrl.u32 v4, $0x10;
	v10 =	vshrl.u32 v5, $0x10  }
0x177: {  	v6 =	vmul.u32 $0x45D9F3B, v6;
	v4 =	vxor.u32 v4, v9;
	v11 =	vshrl.u32 v1, $0x10  }
0x178: {  	v4 =	vmul.u32 $0x45D9F3B, v4;
	v9 =	vxor.u32 v1, v11;
	v11 =	vmul.u32 $0x218D, v10  }
0x179: {  	v13 =	vshrl.u32 v6, $0x10;
	v12 =	vshrl.u32 v8, $0x10;
	v9 =	vmul.u32 $0x45D9F3B, v9  }
0x17a: {  	v6 =	vxor.u32 v6, v13;
	v13 =	vshrl.u32 v4, $0x10;
	v12 =	vxor.u32 v8, v12  }
0x17b: {  	v6 =	vmul.u32 $0x45D9F3B, v6;
	v12 =	vmul.u32 $0x45D9F3B, v12;
	v14 =	vshrl.u32 v9, $0x10  }
0x17c: {  	v4 =	vxor.u32 v4, v13;
	v13 =	vmul.u32 $0x218D, v13;
	v9 =	vxor.u32 v9, v14  }
0x17d: {  	v15 =	vshrl.u32 v6, $0x10;
	v14 =	vshrl.u32 v12, $0x10;
	v9 =	vmul.u32 $0x45D9F3B, v9  }
0x17e: {  	v6 =	vxor.u32 v6, v15;
	v12 =	vxor.u32 v12, v14;
	v14 =	vmul.u32 $0x218D, v15  }
0x17f: {  	v13 =	vshrl.u32 v13, $0x11;
	v12 =	vmul.u32 $0x45D9F3B, v12;
	v15 =	vshrl.u32 v9, $0x10  }
0x180: {  	v9 =	vxor.u32 v9, v15;
	v15 =	vmul.u32 $0x218D, v15;
	v14 =	vshrl.u32 v14, $0x11  }
0x181: {  	vm2 =	veq.s32 v1, $0x0;
	v16 =	vshrl.u32 v12, $0x10;
	v1 =	vmul.u32 $0xFFF0BDC1, v14  }
0x182: {  	v12 =	vxor.u32 v12, v16;
	v14 =	vmul.u32 $0x218D, v16;
	v15 =	vshrl.u32 v15, $0x11  }
0x183: {  	v15 =	vmul.u32 $0xFFF0BDC1, v15;
	v1 =	vadd.s32 v6, v1;
	v6 =	vmul.u32 $0xFFF0BDC1, v13  }
0x184: {  	v11 =	vshrl.u32 v11, $0x11;
	v13 =	vshrl.u32 v14, $0x11;
	vm3 =	vgt.s32 v1, $0xF423E  }
0x185: {  	v13 =	vmul.u32 $0xFFF0BDC1, v13;
	v9 =	vadd.s32 v9, v15;
	v14 =	vsel vm3, $0xFFF0BDC2, v0  }
0x186: {  	vm4 =	veq.s32 v7, $0x0;
	vm3 =	vgt.s32 v9, $0xF423E;
	v1 =	vadd.s32 v1, v14  }
0x187: {  	s23 =	sor.u32 $0x8060, s16;
	v7 =	vadd.s32 v12, v13;
	v12 =	vsel vm3, $0xFFF0BDC2, v0;
	v1 =	vsel vm4, $0x0, v1  }
0x188: {  	vm3 =	vgt.s32 v7, $0xF423E;
	v9 =	vadd.s32 v9, v12;
	[tilespmem:s23+$0x0] =	vst v1;
	s23 =	sor.u32 $0x70, s16;
	v1 =	vadd.s32 v4, v6  }
0x189: {  	v4 =	vsel vm3, $0xFFF0BDC2, v0;
	v6 =	vsel vm2, $0x0, v9;
	v9 =	vld [tilespmem:s23+$0x0];
	vm2 =	vgt.s32 v1, $0xF423E  }
0x18a: {  	vm3 =	veq.s32 v8, $0x0;
	s23 =	sor.u32 $0x8030, s17;
	v4 =	vadd.s32 v7, v4;
	v7 =	vsel vm2, $0xFFF0BDC2, v0  }
0x18b: {  	v4 =	vsel vm3, $0x0, v4;
	[tilespmem:s23+$0x0] =	vst v6;
	s23 =	sor.u32 $0x40, s17;
	v1 =	vadd.s32 v1, v7;
	v6 =	vmul.u32 $0xFFF0BDC1, v11  }
0x18c: {  	v5 =	vxor.u32 v5, v10;
	v7 =	vsel vm0, $0x0, v3;
	[tilespmem:s21+$0x8000] =	vst v4;
	v4 =	vld [tilespmem:s23+$0x0];
	v1 =	vsel vm1, $0x0, v1;
	s23 =	sor.u32 $0x8410, s15  }
0x18d: {  	v8 =	vld [tilespmem:s22+$0x0];
	[tilespmem:s23+$0x0] =	vst v1;
	s22 =	sor.u32 $0x420, s15;
	v1 =	vadd.s32 v5, v6;
	s23 =	sor.u32 $0x8440, s13;
	s13 =	smov.u32 s14  }
0x18e: {  	s14 =	smov.u32 s15;
	s15 =	smov.u32 s16;
	s16 =	smov.u32 s17;
	v5 =	vshrl.u32 v9, $0x10;
	v3 =	vld [tilespmem:s22+$0x0];
	vm0 =	vgt.s32 v1, $0xF423E;
	[tilespmem:s23+$0x0] =	vst.msk $0xff, v7  }
0x18f: {  	s17 =	smov.u32 s21;
	v5 =	vxor.u32 v9, v5;
	v6 =	vsel vm0, $0xFFF0BDC2, v0  }
0x190: {  	vm0 =	veq.s32 v2, $0x0;
	v5 =	vmul.u32 $0x45D9F3B, v5;
	v1 =	vadd.s32 v1, v6  }
0x191: {  	s21 =	sor.u32 $0x8430, s13;
	v2 =	vshrl.u32 v4, $0x10;
	v6 =	vsel vm0, $0x0, v1  }
0x192: {  	s22 =	sor.u32 $0x440, s13;
	v1 =	vshrl.u32 v8, $0x10;
	v2 =	vxor.u32 v4, v2;
	v7 =	vshrl.u32 v5, $0x10;
	[tilespmem:s21+$0x0] =	vst v6  }
0x193: {  	v10 =	vxor.u32 v8, v1;
	v2 =	vmul.u32 $0x45D9F3B, v2;
	v5 =	vxor.u32 v5, v7;
	v1 =	vld.msk [tilespmem:s22+$0x0], $0xff  }
0x194: {  	v7 =	vmul.u32 $0x45D9F3B, v10;
	v5 =	vmul.u32 $0x45D9F3B, v5;
	v10 =	vshrl.u32 v3, $0x10;
	[tilespmem:s21+$0x0] =	vst v6  }
0x195: {  	vm0 =	veq.s32 v9, $0x0;
	v6 =	vshrl.u32 v2, $0x10;
	v9 =	vxor.u32 v3, v10  }
0x196: {  	v10 =	vshrl.u32 v7, $0x10;
	v2 =	vxor.u32 v2, v6;
	v6 =	vshrl.u32 v5, $0x10  }
0x197: {  	v7 =	vxor.u32 v7, v10;
	v2 =	vmul.u32 $0x45D9F3B, v2;
	v10 =	vmul.u32 $0x218D, v6  }
0x198: {  	v5 =	vxor.u32 v5, v6;
	v6 =	vmul.u32 $0x45D9F3B, v9;
	v7 =	vmul.u32 $0x45D9F3B, v7  }
0x199: {  	v11 =	vshrl.u32 v1, $0x10;
	v9 =	vshrl.u32 v2, $0x10;
	v10 =	vshrl.u32 v10, $0x11  }
0x19a: {  	v12 =	vshrl.u32 v7, $0x10;
	v13 =	vmul.u32 $0x218D, v9;
	v10 =	vmul.u32 $0xFFF0BDC1, v10  }
0x19b: {  	v2 =	vxor.u32 v2, v9;
	v7 =	vxor.u32 v7, v12;
	v12 =	vmul.u32 $0x218D, v12  }
0x19c: {  	v9 =	vshrl.u32 v13, $0x11;
	v5 =	vadd.s32 v5, v10;
	v10 =	vshrl.u32 v6, $0x10  }
0x19d: {  	v12 =	vshrl.u32 v12, $0x11;
	v9 =	vmul.u32 $0xFFF0BDC1, v9;
	vm1 =	vgt.s32 v5, $0xF423E  }
0x19e: {  	v6 =	vxor.u32 v6, v10;
	v12 =	vmul.u32 $0xFFF0BDC1, v12;
	v13 =	vsel vm1, $0xFFF0BDC2, v0  }
0x19f: {  	v6 =	vmul.u32 $0x45D9F3B, v6;
	v2 =	vadd.s32 v2, v9;
	v5 =	vadd.s32 v5, v13  }
0x1a0: {  	s21 =	sor.u32 $0x8070, s15;
	v7 =	vadd.s32 v7, v12;
	vm1 =	vgt.s32 v2, $0xF423E;
	v5 =	vsel vm0, $0x0, v5  }
0x1a1: {  	vm0 =	vgt.s32 v7, $0xF423E;
	v9 =	vsel vm1, $0xFFF0BDC2, v0;
	[tilespmem:s21+$0x0] =	vst v5;
	s21 =	sor.u32 $0x400, s15;
	v5 =	vshrl.u32 v6, $0x10  }
0x1a2: {  	v10 =	vsel vm0, $0xFFF0BDC2, v0;
	vm0 =	veq.s32 v4, $0x0;
	v2 =	vadd.s32 v2, v9;
	v4 =	vld [tilespmem:s21+$0x0]  }
0x1a3: {  	vm1 =	veq.s32 v8, $0x0;
	s21 =	sor.u32 $0x8040, s16;
	v7 =	vadd.s32 v7, v10;
	v2 =	vsel vm0, $0x0, v2  }
0x1a4: {  	s22 =	sor.u32 $0x8010, s17;
	v7 =	vsel vm1, $0x0, v7;
	[tilespmem:s21+$0x0] =	vst v2;
	s21 =	sor.u32 $0x50, s16;
	v2 =	vxor.u32 v6, v5;
	v5 =	vmul.u32 $0x218D, v5  }
0x1a5: {  	[tilespmem:s22+$0x0] =	vst v7;
	s22 =	sor.u32 $0x20, s17;
	v6 =	vld [tilespmem:s21+$0x0];
	v7 =	vxor.u32 v1, v11  }
0x1a6: {  	v8 =	vld [tilespmem:s22+$0x0];
	v5 =	vshrl.u32 v5, $0x11;
	v7 =	vmul.u32 $0x45D9F3B, v7  }
0x1a7: {  	v9 =	vshrl.u32 v4, $0x10;
	v5 =	vmul.u32 $0xFFF0BDC1, v5  }
0x1a8: {  	v9 =	vxor.u32 v4, v9;
	v10 =	vshrl.u32 v7, $0x10  }
0x1a9: {  	v9 =	vmul.u32 $0x45D9F3B, v9;
	v2 =	vadd.s32 v2, v5;
	v5 =	vxor.u32 v7, v10  }
0x1aa: {  	v7 =	vshrl.u32 v6, $0x10;
	vm0 =	vgt.s32 v2, $0xF423E;
	v10 =	vmul.u32 $0x45D9F3B, v5  }
0x1ab: {  	v5 =	vshrl.u32 v8, $0x10;
	v7 =	vxor.u32 v6, v7;
	v11 =	vshrl.u32 v9, $0x10  }
0x1ac: {  	v5 =	vxor.u32 v8, v5;
	v7 =	vmul.u32 $0x45D9F3B, v7;
	v9 =	vxor.u32 v9, v11  }
0x1ad: {  	v11 =	vsel vm0, $0xFFF0BDC2, v0;
	v5 =	vmul.u32 $0x45D9F3B, v5;
	v9 =	vmul.u32 $0x45D9F3B, v9  }
0x1ae: {  	v13 =	vshrl.u32 v10, $0x10;
	v12 =	vshrl.u32 v7, $0x10  }
0x1af: {  	v14 =	vshrl.u32 v5, $0x10;
	v7 =	vxor.u32 v7, v12;
	v12 =	vshrl.u32 v9, $0x10  }
0x1b0: {  	v5 =	vxor.u32 v5, v14;
	v7 =	vmul.u32 $0x45D9F3B, v7;
	v14 =	vmul.u32 $0x218D, v12  }
0x1b1: {  	vm0 =	veq.s32 v3, $0x0;
	v2 =	vadd.s32 v2, v11;
	v5 =	vmul.u32 $0x45D9F3B, v5  }
0x1b2: {  	s21 =	sor.u32 $0x8420, s14;
	v2 =	vsel vm0, $0x0, v2;
	v3 =	vshrl.u32 v7, $0x10;
	v11 =	vshrl.u32 v14, $0x11  }
0x1b3: {  	v14 =	vshrl.u32 v5, $0x10;
	v15 =	vmul.u32 $0x218D, v3;
	v11 =	vmul.u32 $0xFFF0BDC1, v11;
	[tilespmem:s21+$0x0] =	vst v2;
	s21 =	sor.u32 $0x430, s14  }
0x1b4: {  	v3 =	vxor.u32 v7, v3;
	v7 =	vxor.u32 v9, v12;
	v16 =	vmul.u32 $0x218D, v14;
	v2 =	vld [tilespmem:s21+$0x0]  }
0x1b5: {  	v5 =	vxor.u32 v5, v14;
	v9 =	vshrl.u32 v15, $0x11;
	v7 =	vadd.s32 v7, v11  }
0x1b6: {  	v11 =	vshrl.u32 v16, $0x11;
	v9 =	vmul.u32 $0xFFF0BDC1, v9;
	vm0 =	vgt.s32 v7, $0xF423E  }
0x1b7: {  	v14 =	vmul.u32 $0x218D, v13;
	v11 =	vmul.u32 $0xFFF0BDC1, v11;
	v12 =	vsel vm0, $0xFFF0BDC2, v0  }
0x1b8: {  	vm0 =	veq.s32 v4, $0x0;
	v3 =	vadd.s32 v3, v9;
	v4 =	vadd.s32 v7, v12  }
0x1b9: {  	s21 =	sor.u32 $0x8400, s15;
	v5 =	vadd.s32 v5, v11;
	vm1 =	vgt.s32 v3, $0xF423E;
	v4 =	vsel vm0, $0x0, v4  }
.Ltmp0:
0x1ba: {  	vm0 =	vgt.s32 v5, $0xF423E;
	v7 =	vsel vm1, $0xFFF0BDC2, v0;
	[tilespmem:s21+$0x0] =	vst v4;
	s21 =	sor.u32 $0x410, s15;
	v4 =	vshrl.u32 v2, $0x10;
	(pc) =	sbr.rel @p0 .LBB2_3-.Ltmp0, $4  }
0x1bb: {  	v9 =	vsel vm0, $0xFFF0BDC2, v0;
	vm0 =	veq.s32 v6, $0x0;
	v3 =	vadd.s32 v3, v7;
	v6 =	vld [tilespmem:s21+$0x0]  }
0x1bc: {  	vm1 =	veq.s32 v8, $0x0;
	s21 =	sor.u32 $0x8050, s16;
	v5 =	vadd.s32 v5, v9;
	v3 =	vsel vm0, $0x0, v3  }
0x1bd: {  	v8 =	vsel vm1, $0x0, v5;
	[tilespmem:s21+$0x0] =	vst v3;
	s21 =	sor.u32 $0x60, s16;
	v3 =	vxor.u32 v2, v4;
	v4 =	vshrl.u32 v14, $0x11  }
0x1be: {  	s22 =	sor.u32 $0x8020, s17;
	v7 =	vld [tilespmem:s21+$0x0];
	v5 =	vmul.u32 $0x45D9F3B, v3;
	v3 =	vxor.u32 v10, v13;
	v4 =	vmul.u32 $0xFFF0BDC1, v4;
	s21 =	smov.u32 s20  }
0x1bf: {  	[tilespmem:s22+$0x0] =	vst v8  }
0x1c0: {  	v8 =	vld [tilespmem:s19+$0x0];
	_ =	sdelay $0x4  }
0x1c1: {  	v9 =	vshrl.u32 v8, $0x10  }
0x1c2: {  	v9 =	vxor.u32 v8, v9  }
0x1c3: {  	v9 =	vmul.u32 $0x45D9F3B, v9;
	_ =	sdelay $0x1  }
0x1c4: {  	v10 =	vshrl.u32 v9, $0x10  }
0x1c5: {  	v9 =	vxor.u32 v9, v10  }
0x1c6: {  	v9 =	vmul.u32 $0x45D9F3B, v9;
	_ =	sdelay $0x1  }
0x1c7: {  	v62 =	vshrl.u32 v9, $0x10  }
0x1c8: {  	v11 =	vmul.u32 $0x218D, v62;
	_ =	sdelay $0x1  }
0x1c9: {  	v11 =	vshrl.u32 v11, $0x11  }
0x1ca: {  	v11 =	vmul.u32 $0xFFF0BDC1, v11  }
0x1cb: {  	v9 =	vxor.u32 v9, v62  }
0x1cc: {  	v9 =	vadd.s32 v9, v11  }
0x1cd: {  	vm0 =	vgt.s32 v9, $0xF423E  }
0x1ce: {  	v63 =	vsel vm0, $0xFFF0BDC2, v0  }
0x1cf: {  	vm7 =	veq.s32 v8, $0x0;
	v12 =	vadd.s32 v9, v63  }
0x1d0: {  	s18 =	sor.u32 $0x8030, s17;
	v8 =	vsel vm7, $0x0, v12  }
0x1d1: {  	s25 =	sor.u32 $0x40, s17;
	[tilespmem:s18+$0x0] =	vst v8  }
0x1d2: {  	v8 =	vld [tilespmem:s25+$0x0];
	_ =	sdelay $0x4  }
0x1d3: {  	v13 =	vshrl.u32 v8, $0x10  }
0x1d4: {  	v9 =	vxor.u32 v8, v13  }
0x1d5: {  	v9 =	vmul.u32 $0x45D9F3B, v9;
	_ =	sdelay $0x1  }
0x1d6: {  	v14 =	vshrl.u32 v9, $0x10  }
0x1d7: {  	v9 =	vxor.u32 v9, v14  }
0x1d8: {  	v9 =	vmul.u32 $0x45D9F3B, v9;
	_ =	sdelay $0x1  }
0x1d9: {  	v15 =	vshrl.u32 v9, $0x10  }
0x1da: {  	v16 =	vmul.u32 $0x218D, v15;
	_ =	sdelay $0x1  }
0x1db: {  	v11 =	vshrl.u32 v16, $0x11  }
0x1dc: {  	v11 =	vmul.u32 $0xFFF0BDC1, v11  }
0x1dd: {  	v9 =	vxor.u32 v9, v15  }
0x1de: {  	v9 =	vadd.s32 v9, v11  }
0x1df: {  	vm8 =	vgt.s32 v9, $0xF423E  }
0x1e0: {  	v17 =	vsel vm8, $0xFFF0BDC2, v0  }
0x1e1: {  	vm9 =	veq.s32 v8, $0x0;
	v18 =	vadd.s32 v9, v17  }
0x1e2: {  	s26 =	sor.u32 $0x8040, s17;
	v8 =	vsel vm9, $0x0, v18  }
0x1e3: {  	s28 =	sor.u32 $0x50, s17;
	[tilespmem:s26+$0x0] =	vst v8  }
0x1e4: {  	v8 =	vld [tilespmem:s28+$0x0];
	_ =	sdelay $0x4  }
0x1e5: {  	v19 =	vshrl.u32 v8, $0x10  }
0x1e6: {  	v9 =	vxor.u32 v8, v19  }
0x1e7: {  	v9 =	vmul.u32 $0x45D9F3B, v9;
	_ =	sdelay $0x1  }
0x1e8: {  	v20 =	vshrl.u32 v9, $0x10  }
0x1e9: {  	v9 =	vxor.u32 v9, v20  }
0x1ea: {  	v9 =	vmul.u32 $0x45D9F3B, v9;
	_ =	sdelay $0x1  }
0x1eb: {  	v21 =	vshrl.u32 v9, $0x10  }
0x1ec: {  	v22 =	vmul.u32 $0x218D, v21;
	_ =	sdelay $0x1  }
0x1ed: {  	v11 =	vshrl.u32 v22, $0x11  }
0x1ee: {  	v11 =	vmul.u32 $0xFFF0BDC1, v11  }
0x1ef: {  	v9 =	vxor.u32 v9, v21  }
0x1f0: {  	v9 =	vadd.s32 v9, v11  }
0x1f1: {  	vm10 =	vgt.s32 v9, $0xF423E  }
0x1f2: {  	v23 =	vsel vm10, $0xFFF0BDC2, v0  }
0x1f3: {  	vm11 =	veq.s32 v8, $0x0;
	v24 =	vadd.s32 v9, v23  }
0x1f4: {  	s29 =	sor.u32 $0x8050, s17;
	v8 =	vsel vm11, $0x0, v24  }
0x1f5: {  	s30 =	sor.u32 $0x60, s17;
	[tilespmem:s29+$0x0] =	vst v8  }
0x1f6: {  	v8 =	vld [tilespmem:s30+$0x0];
	_ =	sdelay $0x2  }
0x1f7: {  	v25 =	vshrl.u32 v7, $0x10  }
0x1f8: {  	v9 =	vxor.u32 v7, v25  }
0x1f9: {  	v9 =	vmul.u32 $0x45D9F3B, v9;
	v26 =	vshrl.u32 v8, $0x10  }
0x1fa: {  	v10 =	vxor.u32 v8, v26  }
0x1fb: {  	v27 =	vshrl.u32 v9, $0x10;
	v10 =	vmul.u32 $0x45D9F3B, v10  }
0x1fc: {  	v9 =	vxor.u32 v9, v27  }
0x1fd: {  	v9 =	vmul.u32 $0x45D9F3B, v9;
	v28 =	vshrl.u32 v10, $0x10  }
0x1fe: {  	v10 =	vxor.u32 v10, v28  }
0x1ff: {  	v29 =	vshrl.u32 v9, $0x10;
	v10 =	vmul.u32 $0x45D9F3B, v10  }
0x200: {  	v12 =	vmul.u32 $0x218D, v29  }
0x201: {  	v13 =	vshrl.u32 v10, $0x10  }
0x202: {  	v12 =	vshrl.u32 v12, $0x11;
	v14 =	vmul.u32 $0x218D, v13  }
0x203: {  	v12 =	vmul.u32 $0xFFF0BDC1, v12  }
0x204: {  	v9 =	vxor.u32 v9, v29;
	v30 =	vshrl.u32 v14, $0x11  }
0x205: {  	v9 =	vadd.s32 v9, v12;
	v11 =	vmul.u32 $0xFFF0BDC1, v30  }
0x206: {  	vm12 =	vgt.s32 v9, $0xF423E;
	v10 =	vxor.u32 v10, v13  }
0x207: {  	v31 =	vsel vm12, $0xFFF0BDC2, v0;
	v10 =	vadd.s32 v10, v11  }
0x208: {  	vm13 =	veq.s32 v7, $0x0;
	v32 =	vadd.s32 v9, v31;
	vm1 =	vgt.s32 v10, $0xF423E  }
0x209: {  	s31 =	sor.u32 $0x8060, s16;
	v7 =	vsel vm13, $0x0, v32;
	v33 =	vsel vm1, $0xFFF0BDC2, v0  }
0x20a: {  	s19 =	sor.u32 $0x70, s16;
	vm14 =	veq.s32 v8, $0x0;
	[tilespmem:s31+$0x0] =	vst v7;
	v34 =	vadd.s32 v10, v33  }
0x20b: {  	s20 =	sor.u32 $0x8060, s17;
	v35 =	vld [tilespmem:s19+$0x0];
	v7 =	vsel vm14, $0x0, v34  }
0x20c: {  	s21 =	sor.u32 $0x70, s17;
	[tilespmem:s20+$0x0] =	vst v7  }
0x20d: {  	v7 =	vld [tilespmem:s21+$0x0];
	_ =	sdelay $0x2  }
0x20e: {  	v36 =	vshrl.u32 v35, $0x10  }
0x20f: {  	v9 =	vxor.u32 v35, v36  }
0x210: {  	v9 =	vmul.u32 $0x45D9F3B, v9;
	v37 =	vshrl.u32 v7, $0x10  }
0x211: {  	v10 =	vxor.u32 v7, v37  }
0x212: {  	v38 =	vshrl.u32 v9, $0x10;
	v10 =	vmul.u32 $0x45D9F3B, v10  }
0x213: {  	v9 =	vxor.u32 v9, v38  }
0x214: {  	v9 =	vmul.u32 $0x45D9F3B, v9;
	v39 =	vshrl.u32 v10, $0x10  }
0x215: {  	v10 =	vxor.u32 v10, v39  }
0x216: {  	v40 =	vshrl.u32 v9, $0x10;
	v10 =	vmul.u32 $0x45D9F3B, v10  }
0x217: {  	v41 =	vmul.u32 $0x218D, v40  }
0x218: {  	v42 =	vshrl.u32 v10, $0x10  }
0x219: {  	v12 =	vshrl.u32 v41, $0x11;
	v43 =	vmul.u32 $0x218D, v42  }
0x21a: {  	v12 =	vmul.u32 $0xFFF0BDC1, v12  }
0x21b: {  	v9 =	vxor.u32 v9, v40;
	v44 =	vshrl.u32 v43, $0x11  }
0x21c: {  	v9 =	vadd.s32 v9, v12;
	v11 =	vmul.u32 $0xFFF0BDC1, v44  }
0x21d: {  	vm15 =	vgt.s32 v9, $0xF423E;
	v10 =	vxor.u32 v10, v42  }
0x21e: {  	v45 =	vsel vm15, $0xFFF0BDC2, v0;
	v10 =	vadd.s32 v10, v11  }
0x21f: {  	vm4 =	veq.s32 v35, $0x0;
	v46 =	vadd.s32 v9, v45;
	vm5 =	vgt.s32 v10, $0xF423E  }
0x220: {  	s22 =	sor.u32 $0x8070, s16;
	v8 =	vsel vm4, $0x0, v46;
	v47 =	vsel vm5, $0xFFF0BDC2, v0  }
0x221: {  	s23 =	sor.u32 $0x400, s16;
	vm6 =	veq.s32 v7, $0x0;
	[tilespmem:s22+$0x0] =	vst v8;
	v48 =	vadd.s32 v10, v47  }
0x222: {  	s24 =	sor.u32 $0x8070, s17;
	v8 =	vld [tilespmem:s23+$0x0];
	v7 =	vsel vm6, $0x0, v48  }
0x223: {  	s25 =	sor.u32 $0x400, s17;
	[tilespmem:s24+$0x0] =	vst v7  }
0x224: {  	v7 =	vld [tilespmem:s25+$0x0];
	_ =	sdelay $0x2  }
0x225: {  	v49 =	vshrl.u32 v8, $0x10  }
0x226: {  	v9 =	vxor.u32 v8, v49  }
0x227: {  	v9 =	vmul.u32 $0x45D9F3B, v9;
	v50 =	vshrl.u32 v7, $0x10  }
0x228: {  	v10 =	vxor.u32 v7, v50  }
0x229: {  	v51 =	vshrl.u32 v9, $0x10;
	v10 =	vmul.u32 $0x45D9F3B, v10  }
0x22a: {  	v9 =	vxor.u32 v9, v51  }
0x22b: {  	v9 =	vmul.u32 $0x45D9F3B, v9;
	v52 =	vshrl.u32 v10, $0x10  }
0x22c: {  	v10 =	vxor.u32 v10, v52  }
0x22d: {  	v53 =	vshrl.u32 v9, $0x10;
	v10 =	vmul.u32 $0x45D9F3B, v10  }
0x22e: {  	v54 =	vmul.u32 $0x218D, v53  }
0x22f: {  	v55 =	vshrl.u32 v10, $0x10  }
0x230: {  	v12 =	vshrl.u32 v54, $0x11;
	v56 =	vmul.u32 $0x218D, v55  }
0x231: {  	v12 =	vmul.u32 $0xFFF0BDC1, v12  }
0x232: {  	v9 =	vxor.u32 v9, v53;
	v57 =	vshrl.u32 v56, $0x11  }
0x233: {  	v9 =	vadd.s32 v9, v12;
	v11 =	vmul.u32 $0xFFF0BDC1, v57  }
0x234: {  	vm7 =	vgt.s32 v9, $0xF423E;
	v10 =	vxor.u32 v10, v55  }
0x235: {  	v58 =	vsel vm7, $0xFFF0BDC2, v0;
	v10 =	vadd.s32 v10, v11  }
0x236: {  	vm8 =	veq.s32 v8, $0x0;
	v59 =	vadd.s32 v9, v58;
	vm9 =	vgt.s32 v10, $0xF423E  }
0x237: {  	s26 =	sor.u32 $0x8400, s16;
	v8 =	vsel vm8, $0x0, v59;
	v60 =	vsel vm9, $0xFFF0BDC2, v0  }
0x238: {  	s28 =	sor.u32 $0x410, s16;
	vm10 =	veq.s32 v7, $0x0;
	[tilespmem:s26+$0x0] =	vst v8;
	v61 =	vadd.s32 v10, v60  }
0x239: {  	s29 =	sor.u32 $0x8400, s17;
	v8 =	vld [tilespmem:s28+$0x0];
	v7 =	vsel vm10, $0x0, v61  }
0x23a: {  	s30 =	sor.u32 $0x410, s17;
	[tilespmem:s29+$0x0] =	vst v7  }
0x23b: {  	v63 =	vld [tilespmem:s30+$0x0]  }
0x23c: {  	v62 =	vshrl.u32 v6, $0x10  }
0x23d: {  	v7 =	vxor.u32 v6, v62  }
0x23e: {  	v15 =	vshrl.u32 v8, $0x10;
	v7 =	vmul.u32 $0x45D9F3B, v7  }
0x23f: {  	v10 =	vxor.u32 v8, v15  }
0x240: {  	v10 =	vmul.u32 $0x45D9F3B, v10;
	v16 =	vshrl.u32 v7, $0x10;
	v17 =	vshrl.u32 v63, $0x10  }
0x241: {  	v7 =	vxor.u32 v7, v16;
	v11 =	vxor.u32 v63, v17  }
0x242: {  	v18 =	vshrl.u32 v10, $0x10;
	v7 =	vmul.u32 $0x45D9F3B, v7;
	v11 =	vmul.u32 $0x45D9F3B, v11  }
0x243: {  	v10 =	vxor.u32 v10, v18  }
0x244: {  	v10 =	vmul.u32 $0x45D9F3B, v10;
	v19 =	vshrl.u32 v7, $0x10;
	v21 =	vshrl.u32 v11, $0x10  }
0x245: {  	v20 =	vmul.u32 $0x218D, v19;
	v11 =	vxor.u32 v11, v21  }
0x246: {  	v22 =	vshrl.u32 v10, $0x10;
	v11 =	vmul.u32 $0x45D9F3B, v11  }
0x247: {  	v15 =	vmul.u32 $0x218D, v22;
	v12 =	vshrl.u32 v20, $0x11  }
0x248: {  	v12 =	vmul.u32 $0xFFF0BDC1, v12;
	v23 =	vshrl.u32 v11, $0x10  }
0x249: {  	v7 =	vxor.u32 v7, v19;
	v24 =	vshrl.u32 v15, $0x11;
	v25 =	vmul.u32 $0x218D, v23  }
0x24a: {  	vm11 =	veq.s32 v6, $0x0;
	v26 =	vmul.u32 $0xFFF0BDC1, v24;
	v7 =	vadd.s32 v7, v12  }
0x24b: {  	v10 =	vxor.u32 v10, v22;
	vm12 =	vgt.s32 v7, $0xF423E;
	v28 =	vshrl.u32 v25, $0x11  }
0x24c: {  	v6 =	vadd.s32 v10, v26;
	v27 =	vsel vm12, $0xFFF0BDC2, v0;
	v29 =	vmul.u32 $0xFFF0BDC1, v28  }
0x24d: {  	vm13 =	vgt.s32 v6, $0xF423E;
	v11 =	vxor.u32 v11, v23;
	v7 =	vadd.s32 v7, v27  }
0x24e: {  	s31 =	sor.u32 $0x8410, s15;
	v30 =	vsel vm13, $0xFFF0BDC2, v0;
	v7 =	vsel vm11, $0x0, v7;
	v10 =	vadd.s32 v11, v29  }
0x24f: {  	s19 =	sor.u32 $0x420, s15;
	vm14 =	veq.s32 v8, $0x0;
	v6 =	vadd.s32 v6, v30;
	[tilespmem:s31+$0x0] =	vst v7;
	vm15 =	vgt.s32 v10, $0xF423E  }
0x250: {  	s20 =	sor.u32 $0x8410, s16;
	v6 =	vsel vm14, $0x0, v6;
	v31 =	vld [tilespmem:s19+$0x0];
	v32 =	vsel vm15, $0xFFF0BDC2, v0  }
0x251: {  	s21 =	sor.u32 $0x420, s16;
	vm4 =	veq.s32 v63, $0x0;
	[tilespmem:s20+$0x0] =	vst v6;
	v33 =	vadd.s32 v10, v32  }
0x252: {  	s22 =	sor.u32 $0x8410, s17;
	v34 =	vld [tilespmem:s21+$0x0];
	v6 =	vsel vm4, $0x0, v33  }
0x253: {  	s23 =	sor.u32 $0x420, s17;
	[tilespmem:s22+$0x0] =	vst v6  }
0x254: {  	v36 =	vld [tilespmem:s23+$0x0]  }
0x255: {  	v35 =	vshrl.u32 v31, $0x10  }
0x256: {  	v6 =	vxor.u32 v31, v35  }
0x257: {  	v37 =	vshrl.u32 v34, $0x10;
	v6 =	vmul.u32 $0x45D9F3B, v6  }
0x258: {  	v9 =	vxor.u32 v34, v37  }
0x259: {  	v9 =	vmul.u32 $0x45D9F3B, v9;
	v38 =	vshrl.u32 v6, $0x10;
	v39 =	vshrl.u32 v36, $0x10  }
0x25a: {  	v40 =	vshrl.u32 v5, $0x10;
	v6 =	vxor.u32 v6, v38;
	v10 =	vxor.u32 v36, v39  }
0x25b: {  	v41 =	vshrl.u32 v9, $0x10;
	v6 =	vmul.u32 $0x45D9F3B, v6;
	v10 =	vmul.u32 $0x45D9F3B, v10  }
0x25c: {  	v5 =	vxor.u32 v5, v40;
	v9 =	vxor.u32 v9, v41  }
0x25d: {  	v9 =	vmul.u32 $0x45D9F3B, v9;
	v42 =	vshrl.u32 v6, $0x10;
	v44 =	vshrl.u32 v10, $0x10  }
0x25e: {  	v5 =	vmul.u32 $0x45D9F3B, v5;
	v43 =	vmul.u32 $0x218D, v42;
	v10 =	vxor.u32 v10, v44  }
0x25f: {  	v45 =	vshrl.u32 v9, $0x10;
	v10 =	vmul.u32 $0x45D9F3B, v10  }
0x260: {  	v16 =	vshrl.u32 v5, $0x10;
	v46 =	vmul.u32 $0x218D, v45;
	v13 =	vshrl.u32 v43, $0x11  }
0x261: {  	v54 =	vmul.u32 $0x218D, v16;
	v13 =	vmul.u32 $0xFFF0BDC1, v13;
	v47 =	vshrl.u32 v10, $0x10  }
0x262: {  	v6 =	vxor.u32 v6, v42;
	v48 =	vshrl.u32 v46, $0x11;
	v49 =	vmul.u32 $0x218D, v47  }
0x263: {  	vm6 =	veq.s32 v31, $0x0;
	v50 =	vmul.u32 $0xFFF0BDC1, v48;
	v6 =	vadd.s32 v6, v13  }
0x264: {  	v9 =	vxor.u32 v9, v45;
	vm5 =	vgt.s32 v6, $0xF423E;
	v52 =	vshrl.u32 v49, $0x11  }
0x265: {  	v9 =	vadd.s32 v9, v50;
	v51 =	vsel vm5, $0xFFF0BDC2, v0;
	v53 =	vmul.u32 $0xFFF0BDC1, v52  }
0x266: {  	vm7 =	vgt.s32 v9, $0xF423E;
	v10 =	vxor.u32 v10, v47;
	v6 =	vadd.s32 v6, v51  }
0x267: {  	s24 =	sor.u32 $0x8420, s15;
	v55 =	vsel vm7, $0xFFF0BDC2, v0;
	v6 =	vsel vm6, $0x0, v6;
	v10 =	vadd.s32 v10, v53  }
0x268: {  	s25 =	sor.u32 $0x430, s15;
	vm8 =	veq.s32 v34, $0x0;
	[tilespmem:s24+$0x0] =	vst v6;
	v6 =	vadd.s32 v9, v55;
	vm9 =	vgt.s32 v10, $0xF423E  }
0x269: {  	s26 =	sor.u32 $0x8420, s16;
	v56 =	vld [tilespmem:s25+$0x0];
	v6 =	vsel vm8, $0x0, v6;
	v57 =	vsel vm9, $0xFFF0BDC2, v0  }
0x26a: {  	s28 =	sor.u32 $0x430, s16;
	v58 =	vshrl.u32 v54, $0x11;
	vm10 =	veq.s32 v36, $0x0;
	[tilespmem:s26+$0x0] =	vst v6;
	v59 =	vadd.s32 v10, v57  }
0x26b: {  	s29 =	sor.u32 $0x8420, s17;
	v60 =	vmul.u32 $0xFFF0BDC1, v58;
	v61 =	vld [tilespmem:s28+$0x0];
	v6 =	vsel vm10, $0x0, v59  }
0x26c: {  	s30 =	sor.u32 $0x430, s17;
	v5 =	vxor.u32 v5, v16;
	[tilespmem:s29+$0x0] =	vst v6  }
0x26d: {  	v5 =	vadd.s32 v5, v60;
	v63 =	vld [tilespmem:s30+$0x0]  }
0x26e: {  	vm11 =	vgt.s32 v5, $0xF423E;
	v62 =	vshrl.u32 v56, $0x10  }
0x26f: {  	vm12 =	veq.s32 v2, $0x0;
	v17 =	vsel vm11, $0xFFF0BDC2, v0;
	v6 =	vxor.u32 v56, v62  }
0x270: {  	v2 =	vadd.s32 v5, v17;
	v6 =	vmul.u32 $0x45D9F3B, v6;
	v18 =	vshrl.u32 v61, $0x10  }
0x271: {  	s31 =	sor.u32 $0x8430, s14;
	v2 =	vsel vm12, $0x0, v2;
	v5 =	vxor.u32 v61, v18  }
0x272: {  	[tilespmem:s31+$0x0] =	vst v2;
	s22 =	sor.u32 $0x440, s14;
	v19 =	vshrl.u32 v6, $0x10;
	v5 =	vmul.u32 $0x45D9F3B, v5;
	v20 =	vshrl.u32 v63, $0x10  }
0x273: {  	v21 =	vld.msk [tilespmem:s22+$0x0], $0xff;
	v6 =	vxor.u32 v6, v19;
	v9 =	vxor.u32 v63, v20  }
0x274: {  	v6 =	vmul.u32 $0x45D9F3B, v6;
	v22 =	vshrl.u32 v5, $0x10;
	v9 =	vmul.u32 $0x45D9F3B, v9  }
0x275: {  	v5 =	vxor.u32 v5, v22  }
0x276: {  	v23 =	vshrl.u32 v6, $0x10;
	v5 =	vmul.u32 $0x45D9F3B, v5;
	v25 =	vshrl.u32 v9, $0x10  }
0x277: {  	v24 =	vmul.u32 $0x218D, v23;
	v9 =	vxor.u32 v9, v25  }
0x278: {  	v27 =	vshrl.u32 v21, $0x10;
	v26 =	vshrl.u32 v5, $0x10;
	v9 =	vmul.u32 $0x45D9F3B, v9  }
0x279: {  	v15 =	vxor.u32 v21, v27;
	v12 =	vshrl.u32 v24, $0x11;
	v28 =	vmul.u32 $0x218D, v26  }
0x27a: {  	v36 =	vmul.u32 $0x45D9F3B, v15;
	v12 =	vmul.u32 $0xFFF0BDC1, v12;
	v29 =	vshrl.u32 v9, $0x10  }
0x27b: {  	v6 =	vxor.u32 v6, v23;
	v30 =	vshrl.u32 v28, $0x11;
	v31 =	vmul.u32 $0x218D, v29  }
0x27c: {  	vm14 =	veq.s32 v56, $0x0;
	v6 =	vadd.s32 v6, v12;
	v32 =	vmul.u32 $0xFFF0BDC1, v30  }
0x27d: {  	v5 =	vxor.u32 v5, v26;
	vm13 =	vgt.s32 v6, $0xF423E;
	v34 =	vshrl.u32 v31, $0x11  }
0x27e: {  	v33 =	vsel vm13, $0xFFF0BDC2, v0;
	v5 =	vadd.s32 v5, v32;
	v35 =	vmul.u32 $0xFFF0BDC1, v34  }
0x27f: {  	v9 =	vxor.u32 v9, v29;
	v6 =	vadd.s32 v6, v33;
	vm15 =	vgt.s32 v5, $0xF423E  }
0x280: {  	s23 =	sor.u32 $0x8430, s15;
	v6 =	vsel vm14, $0x0, v6;
	v37 =	vsel vm15, $0xFFF0BDC2, v0;
	v9 =	vadd.s32 v9, v35  }
0x281: {  	s20 =	sor.u32 $0x440, s15;
	vm4 =	veq.s32 v61, $0x0;
	[tilespmem:s23+$0x0] =	vst v6;
	v5 =	vadd.s32 v5, v37;
	vm5 =	vgt.s32 v9, $0xF423E  }
0x282: {  	v39 =	vshrl.u32 v36, $0x10;
	s24 =	sor.u32 $0x8430, s16;
	v38 =	vld.msk [tilespmem:s20+$0x0], $0xff;
	v5 =	vsel vm4, $0x0, v5;
	v40 =	vsel vm5, $0xFFF0BDC2, v0  }
0x283: {  	s21 =	sor.u32 $0x440, s16;
	v8 =	vxor.u32 v36, v39;
	vm6 =	veq.s32 v63, $0x0;
	[tilespmem:s24+$0x0] =	vst v5;
	v41 =	vadd.s32 v9, v40  }
0x284: {  	v8 =	vmul.u32 $0x45D9F3B, v8;
	s25 =	sor.u32 $0x8430, s17;
	v42 =	vld.msk [tilespmem:s21+$0x0], $0xff;
	v7 =	vsel vm6, $0x0, v41  }
0x285: {  	s26 =	sor.u32 $0x440, s17;
	[tilespmem:s25+$0x0] =	vst v7  }
0x286: {  	v3 =	vadd.s32 v3, v4;
	vm2 =	veq.s32 v21, $0x0;
	v44 =	vshrl.u32 v8, $0x10;
	v43 =	vld.msk [tilespmem:s26+$0x0], $0xff  }
0x287: {  	vm7 =	vgt.s32 v3, $0xF423E;
	v46 =	vmul.u32 $0x218D, v44;
	v45 =	vshrl.u32 v38, $0x10  }
0x288: {  	v4 =	vxor.u32 v8, v44;
	vm8 =	veq.s32 v1, $0x0;
	v13 =	vxor.u32 v38, v45  }
0x289: {  	v1 =	vsel vm7, $0xFFF0BDC2, v0;
	v13 =	vmul.u32 $0x45D9F3B, v13;
	v47 =	vshrl.u32 v42, $0x10  }
0x28a: {  	v1 =	vadd.s32 v3, v1;
	v3 =	vshrl.u32 v46, $0x11;
	v14 =	vxor.u32 v42, v47  }
0x28b: {  	v48 =	vshrl.u32 v13, $0x10;
	v14 =	vmul.u32 $0x45D9F3B, v14;
	v49 =	vshrl.u32 v43, $0x10  }
0x28c: {  	v3 =	vmul.u32 $0xFFF0BDC1, v3;
	v13 =	vxor.u32 v13, v48;
	v51 =	vxor.u32 v43, v49  }
0x28d: {  	v50 =	vmul.u32 $0x45D9F3B, v13;
	v52 =	vshrl.u32 v14, $0x10;
	v13 =	vmul.u32 $0x45D9F3B, v51  }
0x28e: {  	v1 =	vsel vm8, $0x0, v1;
	v3 =	vadd.s32 v4, v3;
	v4 =	vxor.u32 v14, v52  }
0x28f: {  	v53 =	vshrl.u32 v50, $0x10;
	v4 =	vmul.u32 $0x45D9F3B, v4;
	v55 =	vshrl.u32 v13, $0x10  }
0x290: {  	vm9 =	vgt.s32 v3, $0xF423E;
	v54 =	vmul.u32 $0x218D, v53;
	v13 =	vxor.u32 v13, v55  }
0x291: {  	v56 =	vsel vm9, $0xFFF0BDC2, v0;
	v57 =	vshrl.u32 v4, $0x10;
	v13 =	vmul.u32 $0x45D9F3B, v13  }
0x292: {  	s13 =	sor.u32 $0x8440, s13;
	v3 =	vadd.s32 v3, v56;
	v14 =	vshrl.u32 v54, $0x11;
	v59 =	vmul.u32 $0x218D, v57  }
0x293: {  	[tilespmem:s13+$0x0] =	vst.msk $0xff, v1;
	v1 =	vsel vm2, $0x0, v3;
	v58 =	vmul.u32 $0xFFF0BDC1, v14;
	v60 =	vshrl.u32 v13, $0x10  }
0x294: {  	v8 =	vxor.u32 v50, v53;
	v61 =	vshrl.u32 v59, $0x11;
	v62 =	vmul.u32 $0x218D, v60  }
0x295: {  	vm10 =	veq.s32 v38, $0x0;
	v8 =	vadd.s32 v8, v58;
	v10 =	vmul.u32 $0xFFF0BDC1, v61  }
0x296: {  	v4 =	vxor.u32 v4, v57;
	vm11 =	vgt.s32 v8, $0xF423E;
	v3 =	vshrl.u32 v62, $0x11  }
0x297: {  	[tilespmem:s31+$0x0] =	vst v2;
	s28 =	sor.u32 $0x8440, s14;
	v2 =	vsel vm11, $0xFFF0BDC2, v0;
	v4 =	vadd.s32 v4, v10;
	v3 =	vmul.u32 $0xFFF0BDC1, v3  }
0x298: {  	[tilespmem:s28+$0x0] =	vst.msk $0xff, v1;
	v1 =	vadd.s32 v8, v2;
	vm12 =	vgt.s32 v4, $0xF423E;
	v2 =	vxor.u32 v13, v60  }
0x299: {  	s29 =	sor.u32 $0x8440, s15;
	[tilespmem:s23+$0x0] =	vst v6;
	v1 =	vsel vm10, $0x0, v1;
	v63 =	vsel vm12, $0xFFF0BDC2, v0;
	v2 =	vadd.s32 v2, v3  }
0x29a: {  	vm13 =	veq.s32 v42, $0x0;
	[tilespmem:s29+$0x0] =	vst.msk $0xff, v1;
	v1 =	vadd.s32 v4, v63;
	vm14 =	vgt.s32 v2, $0xF423E  }
0x29b: {  	p0 =	sne.s32 s10, $0x8;
	s30 =	sor.u32 $0x8440, s16;
	[tilespmem:s24+$0x0] =	vst v5;
	v1 =	vsel vm13, $0x0, v1;
	v3 =	vsel vm14, $0xFFF0BDC2, v0  }
.Ltmp1:
0x29c: {  	vm15 =	veq.s32 v43, $0x0;
	[tilespmem:s30+$0x0] =	vst.msk $0xff, v1;
	v1 =	vadd.s32 v2, v3;
	(pc) =	sbr.rel @p0 .LBB2_2-.Ltmp1, $4  }
0x29d: {  	s9 =	sshll.u32 s9, $0xB;
	s31 =	sor.u32 $0x8440, s17;
	[tilespmem:s25+$0x0] =	vst v7;
	v1 =	vsel vm15, $0x0, v1  }
0x29e: {  	s12 =	sor.u32 $0x8000, s12;
	s9 =	sadd.s32 s9, s4;
	[tilespmem:s31+$0x0] =	vst.msk $0xff, v1  }
0x29f: {  	[hbm4b:s9+s2] =	stream.linear.scatter [tilespmem:s12], [sflag:s11], $0x4000, $0x38;
	[tilespmem:$0x10000] =	vst v63  }
0x2a0: {  	s9 =	smov.u32 s10  }
0x2a1: {  	s8 =	sadd.s32 $0x1, s8  }
0x2a2: {  	_ =	swait.ge [sflag:s6], $0x4000;
	p0 =	sne.s32 s8, s5  }
.Ltmp2:
0x2a3: {  	[sflag:s6] =	ssyncset.done $0x0;
	(pc) =	sbr.rel @p0 .LBB2_1-.Ltmp2, $4  }
0x2a4: {  	[sflag:s6] =	ssyncadd.s32 $0xFFFFC000  }
0x2a5: {  	_ =	swait.ge [sflag:s7], $0x4000  }
0x2a6: {  	[sflag:s7] =	ssyncset.done $0x0  }
0x2a7: {  	[sflag:s7] =	ssyncadd.s32 $0xFFFFC000  }
0x2a8: {  	_ =	sfence.sel $0x180000  }
0x2a9: {  	[bflag:$0x0] =	sbarrier.arrive $0xFFFF  }
0x2aa: {  	p0 =	sne.s32 s1, $0x0;
	_ =	strace $0x90000047  }
0x2ab: {  	s0 =	sadd.s32 @!p0 $0x100000, s0;
	[bflag:$0x2] =	sbarrier.arrive $0xFFFF  }
0x2ac: {  	[sflag:s0] =	ssyncadd.tile.s32 @!p0 $0x1;
	_ =	shalt  }
.Lfunc_end2:
_tile_overlayer_lowered:
.L_overlay_start_2:
0x2ad: {  	(tag) =	ssettag $0x2  }
0x2ae: {  	s0 =	rddreg [dreg:$0x0];
	s2 =	stileid.u32  }
0x2af: {  	s1 =	rddreg [dreg:$0x1];
	p0 =	sne.s32 s2, $0x0  }
0x2b0: {  	s3 =	rddreg [dreg:$0x2];
	[bflag:$0x3] =	sbarrier.arrive $0xFFFF;
	s2 =	simm.s32 @!p0 $0x1C05  }
0x2b1: {  	[timem:s3], [sflag:s2] =	dma.local @!p0 [hbm:s0], s1  }
0x2b2: {  	s0 =	simm.s32 @!p0 $0x5  }
0x2b3: {  	_ =	swait.ge @!p0 [sflag:s0], s1  }
0x2b4: {  	s1 =	ssub.s32 @!p0 $0x0, s1;
	[sflag:s0] =	ssyncset.done @!p0 $0x0  }
0x2b5: {  	[sflag:s0] =	ssyncadd.s32 @!p0 s1  }
0x2b6: {  	[bflag:$0x3] =	sbarrier.arrive $0xFFFF  }
0x2b7: {  	_ =	shalt  }

</sc_bundles>
